<compile_context>
chip_gen: v7x
topology: tpu7x:2x2x1
jax: 0.10.2.dev20260603
libtpu: 0.0.44.dev20260713+nightly
codegen_flags: <defaults>
</compile_context>

<pallas_src>
import functools

import jax
import jax.numpy as jnp
from jax import lax
from jax.experimental import pallas as pl
from jax.experimental.pallas import tpu as pltpu
from jax.experimental.pallas import tpu_sc as plsc

N = 4096
D = 768
E = 64
F = 3072
TM = 128
NBLK = N // TM
MAXT = E + N // TM
META_LEN = 128
NPAD = MAXT * TM


def _route_body(x_ref, wg_ref, ppos_ref, meta_ref):
    x = x_ref[...]
    wg = wg_ref[...]
    logits = lax.dot_general(x, wg, (((1,), (1,)), ((), ())),
                             preferred_element_type=jnp.float32)
    mx = jnp.max(logits, axis=1, keepdims=True)
    eiota = lax.broadcasted_iota(jnp.int32, (N, E), 1)
    top1 = jnp.min(jnp.where(logits == mx, eiota, E), axis=1, keepdims=True)
    oh = (eiota == top1).astype(jnp.float32)

    ones_1n = jnp.ones((1, N), jnp.float32)
    counts = lax.dot_general(ones_1n, oh, (((1,), (0,)), ((), ())), precision=lax.Precision.HIGHEST)
    nt = jnp.floor((counts + (TM - 1.0)) * (1.0 / TM))
    lt_strict = (lax.broadcasted_iota(jnp.int32, (E, E), 0) <
                 lax.broadcasted_iota(jnp.int32, (E, E), 1)).astype(jnp.float32)
    tile_cum = lax.dot_general(nt, lt_strict, (((1,), (0,)), ((), ())), precision=lax.Precision.HIGHEST)
    tile_end = tile_cum + nt
    total_tiles = jnp.sum(nt)
    poffset = TM * tile_cum

    lt_inc = (lax.broadcasted_iota(jnp.int32, (TM, TM), 1) <=
              lax.broadcasted_iota(jnp.int32, (TM, TM), 0)).astype(jnp.float32)
    ones_e1 = jnp.ones((E, 1), jnp.float32)

    carry = jnp.zeros((1, E), jnp.float32)
    for t in range(NBLK):
        oh_blk = oh[t * TM:(t + 1) * TM, :]
        csum_blk = lax.dot_general(lt_inc, oh_blk, (((1,), (0,)), ((), ())), precision=lax.Precision.HIGHEST) + carry
        val = csum_blk - 1.0 + poffset
        ppos_blk = lax.dot_general(oh_blk * val, ones_e1,
                                   (((1,), (0,)), ((), ())), precision=lax.Precision.HIGHEST)
        ppos_ref[t * TM:(t + 1) * TM, :] = ppos_blk.astype(jnp.int32)
        carry = carry + jnp.sum(oh_blk, axis=0, keepdims=True)

    eye = (lax.broadcasted_iota(jnp.int32, (E, E), 0) ==
           lax.broadcasted_iota(jnp.int32, (E, E), 1)).astype(jnp.float32)
    tile_end_col = lax.dot_general(eye, tile_end, (((1,), (1,)), ((), ())), precision=lax.Precision.HIGHEST)
    counts_col = lax.dot_general(eye, counts, (((1,), (1,)), ((), ())), precision=lax.Precision.HIGHEST)
    eiota_col = lax.broadcasted_iota(jnp.int32, (E, 1), 0).astype(jnp.float32)
    last_used = jnp.max(jnp.where(counts_col > 0.0, eiota_col, 0.0))
    tiota = lax.broadcasted_iota(jnp.int32, (1, META_LEN), 1).astype(jnp.float32)
    mask = (tile_end_col <= tiota).astype(jnp.float32)
    ones_1e = jnp.ones((1, E), jnp.float32)
    e_map = lax.dot_general(ones_1e, mask, (((1,), (0,)), ((), ())), precision=lax.Precision.HIGHEST)
    e_map = jnp.minimum(e_map, last_used)
    meta = jnp.where(tiota == float(MAXT), total_tiles, e_map)
    meta_ref[...] = meta.astype(jnp.int32)


def _ffn_body(meta_ref, xs_ref, w1_ref, b1_ref, w2_ref, b2_ref, ys_ref, h_ref):
    t = pl.program_id(0)

    @pl.when(t < meta_ref[MAXT])
    def _():
        xt = xs_ref[...]
        h = jnp.dot(xt, w1_ref[0], preferred_element_type=jnp.float32)
        h = h + b1_ref[0]
        h_ref[...] = 0.5 * h * (1.0 + lax.erf(h * 0.7071067811865476))
        ys = jnp.dot(h_ref[...], w2_ref[0], preferred_element_type=jnp.float32)
        ys_ref[...] = ys + b2_ref[0]


def _route(x_flat, wg):
    ppos2, meta2 = pl.pallas_call(
        _route_body,
        out_shape=[
            jax.ShapeDtypeStruct((N, 1), jnp.int32),
            jax.ShapeDtypeStruct((1, META_LEN), jnp.int32),
        ],
    )(x_flat, wg)
    return ppos2.reshape(N), meta2.reshape(META_LEN)


def _ffn(meta, xs_pad, w1, b1, w2, b2):
    grid_spec = pltpu.PrefetchScalarGridSpec(
        num_scalar_prefetch=1,
        grid=(MAXT,),
        in_specs=[
            pl.BlockSpec((TM, D), lambda t, s: (t, 0)),
            pl.BlockSpec((1, D, F), lambda t, s: (s[t], 0, 0)),
            pl.BlockSpec((1, 1, F), lambda t, s: (s[t], 0, 0)),
            pl.BlockSpec((1, F, D), lambda t, s: (s[t], 0, 0)),
            pl.BlockSpec((1, 1, D), lambda t, s: (s[t], 0, 0)),
        ],
        out_specs=pl.BlockSpec((TM, D), lambda t, s: (t, 0)),
        scratch_shapes=[pltpu.VMEM((TM, F), jnp.float32)],
    )
    return pl.pallas_call(
        _ffn_body,
        grid_spec=grid_spec,
        out_shape=jax.ShapeDtypeStruct((NPAD, D), jnp.float32),
        compiler_params=pltpu.CompilerParams(
            vmem_limit_bytes=120 * 1024 * 1024),
    )(meta, xs_pad, w1, b1.reshape(E, 1, F), w2, b2.reshape(E, 1, D))


def _sc_dispatch(x_flat, ppos):
    info = plsc.get_sparse_core_info()
    nc, ns = info.num_cores, info.num_subcores
    nw = nc * ns
    chunk = N // nw
    mesh = plsc.VectorSubcoreMesh(core_axis_name="c", subcore_axis_name="s")

    @functools.partial(
        pl.kernel, mesh=mesh,
        out_type=jax.ShapeDtypeStruct((NPAD, D), jnp.float32),
        scratch_types=[
            pltpu.VMEM((chunk,), jnp.int32),
            pltpu.VMEM((chunk, D), jnp.float32),
            pltpu.SemaphoreType.DMA,
        ],
    )
    def scatter_k(x_hbm, ppos_hbm, xs_hbm, idx_v, rows_v, sem):
        wid = lax.axis_index("s") * nc + lax.axis_index("c")
        base = wid * chunk
        pltpu.sync_copy(ppos_hbm.at[pl.ds(base, chunk)], idx_v)
        pltpu.sync_copy(x_hbm.at[pl.ds(base, chunk)], rows_v)
        pltpu.async_copy(rows_v, xs_hbm.at[idx_v], sem).wait()

    return scatter_k(x_flat, ppos)


def _sc_combine(ys_pad, ppos):
    info = plsc.get_sparse_core_info()
    nc, ns = info.num_cores, info.num_subcores
    nw = nc * ns
    chunk = N // nw
    mesh = plsc.VectorSubcoreMesh(core_axis_name="c", subcore_axis_name="s")

    @functools.partial(
        pl.kernel, mesh=mesh,
        out_type=jax.ShapeDtypeStruct((N, D), jnp.float32),
        scratch_types=[
            pltpu.VMEM((chunk,), jnp.int32),
            pltpu.VMEM((chunk, D), jnp.float32),
            pltpu.SemaphoreType.DMA,
        ],
    )
    def gather_k(ys_hbm, ppos_hbm, y_hbm, idx_v, rows_v, sem):
        wid = lax.axis_index("s") * nc + lax.axis_index("c")
        base = wid * chunk
        pltpu.sync_copy(ppos_hbm.at[pl.ds(base, chunk)], idx_v)
        pltpu.async_copy(ys_hbm.at[idx_v], rows_v, sem).wait()
        pltpu.sync_copy(rows_v, y_hbm.at[pl.ds(base, chunk)])

    return gather_k(ys_pad, ppos)


def kernel(x, Wg, W1, b1, W2, b2):
    Bb, T, Dm = x.shape
    x_flat = x.reshape(Bb * T, Dm)
    ppos, meta = _route(x_flat, Wg)
    xs_pad = _sc_dispatch(x_flat, ppos)
    ys_pad = _ffn(meta, xs_pad, W1, b1, W2, b2)
    y_flat = _sc_combine(ys_pad, ppos)
    return y_flat.reshape(Bb, T, Dm)

# --- scband reference (transcript-rebuilt; emitter-appended) ---
"""Pipeline reference for scband-fmri-encoder-mo-etransformer-77360950935852 (READ-ONLY COPY).

The authoritative reference and input builder live on the scoring server;
editing this copy changes nothing except your own understanding.
"""

import jax, jax.numpy as jnp
import numpy as np

B = 2
T = 2048
D_MODEL = 768
N_EXPERTS = 64
D_FF = 3072  # int(round(768 * 4.0))


def setup_inputs(seed: int = 0) -> dict:
    key = jax.random.key(seed)
    ks = jax.random.split(key, 5)
    x = jax.random.normal(ks[0], (B, T, D_MODEL), dtype=jnp.float32)
    Wg = jax.random.normal(ks[1], (N_EXPERTS, D_MODEL), dtype=jnp.float32) * 0.02
    W1 = jax.random.normal(ks[2], (N_EXPERTS, D_MODEL, D_FF), dtype=jnp.float32) * 0.02
    b1 = jnp.zeros((N_EXPERTS, D_FF), dtype=jnp.float32)
    W2 = jax.random.normal(ks[3], (N_EXPERTS, D_FF, D_MODEL), dtype=jnp.float32) * 0.02
    b2 = jnp.zeros((N_EXPERTS, D_MODEL), dtype=jnp.float32)
    return {"x": x, "Wg": Wg, "W1": W1, "b1": b1, "W2": W2, "b2": b2}


def reference(x, Wg, W1, b1, W2, b2):
    # Faithful jax translation of TokenMoE.forward with top_k=1 (dropout=0, eval mode).
    B_, T_, D = x.shape
    E = Wg.shape[0]
    x_flat = x.reshape(B_ * T_, D)
    # gate (nn.Linear, bias=False): logits = x @ Wg^T
    logits = x_flat @ Wg.T
    # probs / aux / zloss are computed in torch but do not affect the returned output
    probs = jax.nn.softmax(logits, axis=-1)
    mean_prob = probs.mean(axis=0)
    aux = (mean_prob * mean_prob * E).sum()
    zloss = (logits ** 2).mean() * 0.01
    del aux, zloss
    # _dispatch_top1: route each token to argmax expert; NOTE: torch code does NOT
    # weight expert output by gate probs in the top-1 path.
    top1 = jnp.argmax(logits, axis=-1)
    y_flat = jnp.zeros_like(x_flat)
    for e in range(E):
        mask = (top1 == e)[:, None]
        h = jax.nn.gelu(x_flat @ W1[e] + b1[e], approximate=False)
        ye = h @ W2[e] + b2[e]
        y_flat = jnp.where(mask, ye, y_flat)
    return y_flat.reshape(B_, T_, D)

if __name__ == "__main__":
    import jax
    _d = setup_inputs()
    print(jax.jit(kernel)(*tuple(_d.values())))

</pallas_src>

<mosaic_0001>
#map = affine_map<(d0, d1) -> (0, 0)>
#map1 = affine_map<(d0, d1) -> (0)>
module attributes {stable_mosaic.version = 14 : i64} {
  func.func @scatter_k(%arg0: i32, %arg1: i32, %arg2: memref<4096x768xf32, #tpu.memory_space<hbm>>, %arg3: memref<4096xi32, #tpu.memory_space<hbm>>, %arg4: memref<12288x768xf32, #tpu.memory_space<hbm>>, %arg5: memref<128xi32, #tpu.memory_space<vmem>>, %arg6: memref<128x768xf32, #tpu.memory_space<vmem>>, %arg7: memref<!tpu.dma_semaphore, #tpu.memory_space<semaphore_mem>>) attributes {dimension_semantics = [#tpu.dimension_semantics<core_parallel>, #tpu.dimension_semantics<subcore_parallel>], iteration_bounds = array<i64: 2, 16>, scalar_prefetch = 0 : i64, scratch_operands = 3 : i64, tpu.core_type = #tpu.core_type<sc_vector_subcore>, window_params = [{transform_indices = #map}, {transform_indices = #map1}, {transform_indices = #map}]} {
    %mul3A = arith.constant 2 : i32
    %mul3A_0 = arith.muli %arg1, %mul3A : i32
    %add3A = arith.addi %mul3A_0, %arg0 : i32
    %mul3A_1 = arith.constant 128 : i32
    %mul3A_2 = arith.muli %add3A, %mul3A_1 : i32
    "tpu.region"() ({
      %run_scoped3A = tpu.sem_alloc : memref<!tpu.dma_semaphore, #tpu.memory_space<semaphore_mem>>
      %dma_start3A_7 = tpu.memref_slice %arg3[%mul3A_2] : memref<4096xi32, #tpu.memory_space<hbm>> -> memref<128xi32, #tpu.memory_space<hbm>>
      %dma_start3A_8 = tpu.memref_slice %arg3[%mul3A_2] : memref<4096xi32, #tpu.memory_space<hbm>> -> memref<128xi32, #tpu.memory_space<hbm>>
      tpu.enqueue_dma source(%dma_start3A_8 : memref<128xi32, #tpu.memory_space<hbm>>) target(%arg5 : memref<128xi32, #tpu.memory_space<vmem>>) target_semaphore(%run_scoped3A : memref<!tpu.dma_semaphore, #tpu.memory_space<semaphore_mem>>)
      %dma_wait3A_9 = tpu.memref_slice %arg3[%mul3A_2] : memref<4096xi32, #tpu.memory_space<hbm>> -> memref<128xi32, #tpu.memory_space<hbm>>
      %dma_wait3A_10 = tpu.memref_slice %arg3[%mul3A_2] : memref<4096xi32, #tpu.memory_space<hbm>> -> memref<128xi32, #tpu.memory_space<hbm>>
      tpu.wait_dma2 semaphore(%run_scoped3A : memref<!tpu.dma_semaphore, #tpu.memory_space<semaphore_mem>>) src(%dma_wait3A_10 : memref<128xi32, #tpu.memory_space<hbm>>) dst(%arg5 : memref<128xi32, #tpu.memory_space<vmem>>)
      tpu.yield
    }) : () -> ()
    "tpu.region"() ({
      %run_scoped3A = tpu.sem_alloc : memref<!tpu.dma_semaphore, #tpu.memory_space<semaphore_mem>>
      %dma_start3A_7 = arith.constant 0 : i32
      %dma_start3A_8 = tpu.memref_slice %arg2[%mul3A_2, %dma_start3A_7] : memref<4096x768xf32, #tpu.memory_space<hbm>> -> memref<128x768xf32, #tpu.memory_space<hbm>>
      %dma_start3A_9 = arith.constant 0 : i32
      %dma_start3A_10 = tpu.memref_slice %arg2[%mul3A_2, %dma_start3A_9] : memref<4096x768xf32, #tpu.memory_space<hbm>> -> memref<128x768xf32, #tpu.memory_space<hbm>>
      tpu.enqueue_dma source(%dma_start3A_10 : memref<128x768xf32, #tpu.memory_space<hbm>>) target(%arg6 : memref<128x768xf32, #tpu.memory_space<vmem>>) target_semaphore(%run_scoped3A : memref<!tpu.dma_semaphore, #tpu.memory_space<semaphore_mem>>)
      %dma_wait3A_11 = arith.constant 0 : i32
      %dma_wait3A_12 = tpu.memref_slice %arg2[%mul3A_2, %dma_wait3A_11] : memref<4096x768xf32, #tpu.memory_space<hbm>> -> memref<128x768xf32, #tpu.memory_space<hbm>>
      %dma_wait3A_13 = arith.constant 0 : i32
      %dma_wait3A_14 = tpu.memref_slice %arg2[%mul3A_2, %dma_wait3A_13] : memref<4096x768xf32, #tpu.memory_space<hbm>> -> memref<128x768xf32, #tpu.memory_space<hbm>>
      tpu.wait_dma2 semaphore(%run_scoped3A : memref<!tpu.dma_semaphore, #tpu.memory_space<semaphore_mem>>) src(%dma_wait3A_14 : memref<128x768xf32, #tpu.memory_space<hbm>>) dst(%arg6 : memref<128x768xf32, #tpu.memory_space<vmem>>)
      tpu.yield
    }) : () -> ()
    %dma_start3A = arith.constant 0 : i32
    %dma_start3A_3 = arith.constant 0 : i32
    %dma_start3A_4 = tpu.memref_slice %arg4[%dma_start3A, %dma_start3A_3] : memref<12288x768xf32, #tpu.memory_space<hbm>> -> memref<12288x768xf32, #tpu.memory_space<hbm>>
    tpu.enqueue_indirect_dma source(%arg6 : memref<128x768xf32, #tpu.memory_space<vmem>>) target(%dma_start3A_4 : memref<12288x768xf32, #tpu.memory_space<hbm>>) offsets(%arg5 : memref<128xi32, #tpu.memory_space<vmem>>) semaphore(%arg7 : memref<!tpu.dma_semaphore, #tpu.memory_space<semaphore_mem>>)
    %dma_wait3A = arith.constant 0 : i32
    %dma_wait3A_5 = arith.constant 0 : i32
    %dma_wait3A_6 = tpu.memref_slice %arg4[%dma_wait3A, %dma_wait3A_5] : memref<12288x768xf32, #tpu.memory_space<hbm>> -> memref<12288x768xf32, #tpu.memory_space<hbm>>
    tpu.wait_indirect_dma semaphore(%arg7 : memref<!tpu.dma_semaphore, #tpu.memory_space<semaphore_mem>>) src(%arg6 : memref<128x768xf32, #tpu.memory_space<vmem>>) dst(%dma_wait3A_6 : memref<12288x768xf32, #tpu.memory_space<hbm>>)
    return
  }
}

#map = affine_map<(d0, d1) -> (0, 0)>
#map1 = affine_map<(d0, d1) -> (0)>
module attributes {stable_mosaic.version = 14 : i64} {
  func.func @gather_k(%arg0: i32, %arg1: i32, %arg2: memref<12288x768xf32, #tpu.memory_space<hbm>>, %arg3: memref<4096xi32, #tpu.memory_space<hbm>>, %arg4: memref<4096x768xf32, #tpu.memory_space<hbm>>, %arg5: memref<128xi32, #tpu.memory_space<vmem>>, %arg6: memref<128x768xf32, #tpu.memory_space<vmem>>, %arg7: memref<!tpu.dma_semaphore, #tpu.memory_space<semaphore_mem>>) attributes {dimension_semantics = [#tpu.dimension_semantics<core_parallel>, #tpu.dimension_semantics<subcore_parallel>], iteration_bounds = array<i64: 2, 16>, scalar_prefetch = 0 : i64, scratch_operands = 3 : i64, tpu.core_type = #tpu.core_type<sc_vector_subcore>, window_params = [{transform_indices = #map}, {transform_indices = #map1}, {transform_indices = #map}]} {
    %mul3A = arith.constant 2 : i32
    %mul3A_0 = arith.muli %arg1, %mul3A : i32
    %add3A = arith.addi %mul3A_0, %arg0 : i32
    %mul3A_1 = arith.constant 128 : i32
    %mul3A_2 = arith.muli %add3A, %mul3A_1 : i32
    "tpu.region"() ({
      %run_scoped3A = tpu.sem_alloc : memref<!tpu.dma_semaphore, #tpu.memory_space<semaphore_mem>>
      %dma_start3A_7 = tpu.memref_slice %arg3[%mul3A_2] : memref<4096xi32, #tpu.memory_space<hbm>> -> memref<128xi32, #tpu.memory_space<hbm>>
      %dma_start3A_8 = tpu.memref_slice %arg3[%mul3A_2] : memref<4096xi32, #tpu.memory_space<hbm>> -> memref<128xi32, #tpu.memory_space<hbm>>
      tpu.enqueue_dma source(%dma_start3A_8 : memref<128xi32, #tpu.memory_space<hbm>>) target(%arg5 : memref<128xi32, #tpu.memory_space<vmem>>) target_semaphore(%run_scoped3A : memref<!tpu.dma_semaphore, #tpu.memory_space<semaphore_mem>>)
      %dma_wait3A_9 = tpu.memref_slice %arg3[%mul3A_2] : memref<4096xi32, #tpu.memory_space<hbm>> -> memref<128xi32, #tpu.memory_space<hbm>>
      %dma_wait3A_10 = tpu.memref_slice %arg3[%mul3A_2] : memref<4096xi32, #tpu.memory_space<hbm>> -> memref<128xi32, #tpu.memory_space<hbm>>
      tpu.wait_dma2 semaphore(%run_scoped3A : memref<!tpu.dma_semaphore, #tpu.memory_space<semaphore_mem>>) src(%dma_wait3A_10 : memref<128xi32, #tpu.memory_space<hbm>>) dst(%arg5 : memref<128xi32, #tpu.memory_space<vmem>>)
      tpu.yield
    }) : () -> ()
    %dma_start3A = arith.constant 0 : i32
    %dma_start3A_3 = arith.constant 0 : i32
    %dma_start3A_4 = tpu.memref_slice %arg2[%dma_start3A, %dma_start3A_3] : memref<12288x768xf32, #tpu.memory_space<hbm>> -> memref<12288x768xf32, #tpu.memory_space<hbm>>
    tpu.enqueue_indirect_dma source(%dma_start3A_4 : memref<12288x768xf32, #tpu.memory_space<hbm>>) target(%arg6 : memref<128x768xf32, #tpu.memory_space<vmem>>) offsets(%arg5 : memref<128xi32, #tpu.memory_space<vmem>>) semaphore(%arg7 : memref<!tpu.dma_semaphore, #tpu.memory_space<semaphore_mem>>)
    %dma_wait3A = arith.constant 0 : i32
    %dma_wait3A_5 = arith.constant 0 : i32
    %dma_wait3A_6 = tpu.memref_slice %arg2[%dma_wait3A, %dma_wait3A_5] : memref<12288x768xf32, #tpu.memory_space<hbm>> -> memref<12288x768xf32, #tpu.memory_space<hbm>>
    tpu.wait_indirect_dma semaphore(%arg7 : memref<!tpu.dma_semaphore, #tpu.memory_space<semaphore_mem>>) src(%dma_wait3A_6 : memref<12288x768xf32, #tpu.memory_space<hbm>>) dst(%arg6 : memref<128x768xf32, #tpu.memory_space<vmem>>)
    "tpu.region"() ({
      %run_scoped3A = tpu.sem_alloc : memref<!tpu.dma_semaphore, #tpu.memory_space<semaphore_mem>>
      %dma_start3A_7 = arith.constant 0 : i32
      %dma_start3A_8 = tpu.memref_slice %arg4[%mul3A_2, %dma_start3A_7] : memref<4096x768xf32, #tpu.memory_space<hbm>> -> memref<128x768xf32, #tpu.memory_space<hbm>>
      %dma_start3A_9 = arith.constant 0 : i32
      %dma_start3A_10 = tpu.memref_slice %arg4[%mul3A_2, %dma_start3A_9] : memref<4096x768xf32, #tpu.memory_space<hbm>> -> memref<128x768xf32, #tpu.memory_space<hbm>>
      tpu.enqueue_dma source(%arg6 : memref<128x768xf32, #tpu.memory_space<vmem>>) target(%dma_start3A_10 : memref<128x768xf32, #tpu.memory_space<hbm>>) target_semaphore(%run_scoped3A : memref<!tpu.dma_semaphore, #tpu.memory_space<semaphore_mem>>)
      %dma_wait3A_11 = arith.constant 0 : i32
      %dma_wait3A_12 = tpu.memref_slice %arg4[%mul3A_2, %dma_wait3A_11] : memref<4096x768xf32, #tpu.memory_space<hbm>> -> memref<128x768xf32, #tpu.memory_space<hbm>>
      %dma_wait3A_13 = arith.constant 0 : i32
      %dma_wait3A_14 = tpu.memref_slice %arg4[%mul3A_2, %dma_wait3A_13] : memref<4096x768xf32, #tpu.memory_space<hbm>> -> memref<128x768xf32, #tpu.memory_space<hbm>>
      tpu.wait_dma2 semaphore(%run_scoped3A : memref<!tpu.dma_semaphore, #tpu.memory_space<semaphore_mem>>) src(%arg6 : memref<128x768xf32, #tpu.memory_space<vmem>>) dst(%dma_wait3A_14 : memref<128x768xf32, #tpu.memory_space<hbm>>)
      tpu.yield
    }) : () -> ()
    return
  }
}

module attributes {stable_mosaic.version = 14 : i64} {
  func.func @_route_body(%arg0: memref<4096x768xf32, #tpu.memory_space<vmem>>, %arg1: memref<64x768xf32, #tpu.memory_space<vmem>>, %arg2: memref<4096x1xi32, #tpu.memory_space<vmem>>, %arg3: memref<1x128xi32, #tpu.memory_space<vmem>>) attributes {dimension_semantics = [], scalar_prefetch = 0 : i64, scratch_operands = 0 : i64, tpu.core_type = #tpu.core_type<tc>} {
    %get3A = arith.constant 0 : index
    %get3A_0 = arith.constant 0 : index
    %get3A_1 = vector.load %arg0[%get3A, %get3A_0] : memref<4096x768xf32, #tpu.memory_space<vmem>>, vector<4096x768xf32>
    %get3A_2 = arith.constant 0 : index
    %get3A_3 = arith.constant 0 : index
    %get3A_4 = vector.load %arg1[%get3A_2, %get3A_3] : memref<64x768xf32, #tpu.memory_space<vmem>>, vector<64x768xf32>
    %dot_general3A = arith.constant dense<0.000000e+00> : vector<4096x64xf32>
    %dot_general3A_5 = tpu.matmul %get3A_1, %get3A_4, %dot_general3A {dimension_numbers = #tpu.dot_dimension_numbers<[1], [1], [0], [0], [0, 0, 1, 0], [], []>, transpose_lhs_hint = false} : vector<4096x768xf32>, vector<64x768xf32>, vector<4096x64xf32> -> vector<4096x64xf32>
    %reduce_max3A = arith.constant dense<0xFF800000> : vector<4096xf32>
    %reduce_max3A_6 = vector.multi_reduction <maximumf>, %dot_general3A_5, %reduce_max3A [1] : vector<4096x64xf32> to vector<4096xf32>
    %broadcast_in_dim3A = vector.shape_cast %reduce_max3A_6 : vector<4096xf32> to vector<4096x1xf32>
    %iota3A = tpu.iota {dimensions = array<i32: 1>} : vector<4096x64xi32>
    %eq3A = vector.broadcast %broadcast_in_dim3A : vector<4096x1xf32> to vector<4096x64xf32>
    %eq3A_7 = arith.cmpf oeq, %dot_general3A_5, %eq3A : vector<4096x64xf32>
    %jit3A = arith.constant 64 : i32
    %broadcast_in_dim3A_8 = vector.broadcast %jit3A : i32 to vector<4096x64xi32>
    %select_n3A = arith.select %eq3A_7, %iota3A, %broadcast_in_dim3A_8 : vector<4096x64xi1>, vector<4096x64xi32>
    %reduce_min3A = arith.constant dense<2147483647> : vector<4096xi32>
    %reduce_min3A_9 = vector.multi_reduction <minsi>, %select_n3A, %reduce_min3A [1] : vector<4096x64xi32> to vector<4096xi32>
    %broadcast_in_dim3A_10 = vector.shape_cast %reduce_min3A_9 : vector<4096xi32> to vector<4096x1xi32>
    %eq3A_11 = vector.broadcast %broadcast_in_dim3A_10 : vector<4096x1xi32> to vector<4096x64xi32>
    %eq3A_12 = arith.cmpi eq, %iota3A, %eq3A_11 : vector<4096x64xi32>
    %convert_element_type3A = arith.extui %eq3A_12 : vector<4096x64xi1> to vector<4096x64xi32>
    %convert_element_type3A_13 = arith.sitofp %convert_element_type3A : vector<4096x64xi32> to vector<4096x64xf32>
    %broadcast_in_dim3A_14 = arith.constant 1.000000e+00 : f32
    %broadcast_in_dim3A_15 = vector.broadcast %broadcast_in_dim3A_14 : f32 to vector<1x4096xf32>
    %dot_general3A_16 = arith.constant dense<0.000000e+00> : vector<1x64xf32>
    %dot_general3A_17 = tpu.matmul %broadcast_in_dim3A_15, %convert_element_type3A_13, %dot_general3A_16 {dimension_numbers = #tpu.dot_dimension_numbers<[1], [0], [0], [1], [0, 0, 1, 1], [], []>, precision = #tpu.contract_precision<fp32>, transpose_lhs_hint = false} : vector<1x4096xf32>, vector<4096x64xf32>, vector<1x64xf32> -> vector<1x64xf32>
    %add3A = arith.constant 1.270000e+02 : f32
    %add3A_18 = vector.broadcast %add3A : f32 to vector<1x64xf32>
    %add3A_19 = arith.addf %dot_general3A_17, %add3A_18 : vector<1x64xf32>
    %mul3A = arith.constant 7.812500e-03 : f32
    %mul3A_20 = vector.broadcast %mul3A : f32 to vector<1x64xf32>
    %mul3A_21 = arith.mulf %add3A_19, %mul3A_20 : vector<1x64xf32>
    %floor3A = math.floor %mul3A_21 : vector<1x64xf32>
    %iota3A_22 = tpu.iota {dimensions = array<i32: 0>} : vector<64x64xi32>
    %iota3A_23 = tpu.iota {dimensions = array<i32: 1>} : vector<64x64xi32>
    %lt3A = arith.cmpi slt, %iota3A_22, %iota3A_23 : vector<64x64xi32>
    %convert_element_type3A_24 = arith.extui %lt3A : vector<64x64xi1> to vector<64x64xi32>
    %convert_element_type3A_25 = arith.sitofp %convert_element_type3A_24 : vector<64x64xi32> to vector<64x64xf32>
    %dot_general3A_26 = arith.constant dense<0.000000e+00> : vector<1x64xf32>
    %dot_general3A_27 = tpu.matmul %floor3A, %convert_element_type3A_25, %dot_general3A_26 {dimension_numbers = #tpu.dot_dimension_numbers<[1], [0], [0], [1], [0, 0, 1, 1], [], []>, precision = #tpu.contract_precision<fp32>, transpose_lhs_hint = false} : vector<1x64xf32>, vector<64x64xf32>, vector<1x64xf32> -> vector<1x64xf32>
    %add3A_28 = arith.addf %dot_general3A_27, %floor3A : vector<1x64xf32>
    %reduce_sum3A = vector.shape_cast %floor3A : vector<1x64xf32> to vector<1x1x64xf32>
    %reduce_sum3A_29 = arith.constant dense<0.000000e+00> : vector<1xf32>
    %reduce_sum3A_30 = vector.multi_reduction <add>, %reduce_sum3A, %reduce_sum3A_29 [1, 2] : vector<1x1x64xf32> to vector<1xf32>
    %reduce_sum3A_31 = vector.shape_cast %reduce_sum3A_30 : vector<1xf32> to vector<1x1x1xf32>
    %reduce_sum3A_32 = vector.extract %reduce_sum3A_31[0, 0, 0] : f32 from vector<1x1x1xf32>
    %mul3A_33 = arith.constant 1.280000e+02 : f32
    %mul3A_34 = vector.broadcast %mul3A_33 : f32 to vector<1x64xf32>
    %mul3A_35 = arith.mulf %mul3A_34, %dot_general3A_27 : vector<1x64xf32>
    %iota3A_36 = tpu.iota {dimensions = array<i32: 1>} : vector<128x128xi32>
    %iota3A_37 = tpu.iota {dimensions = array<i32: 0>} : vector<128x128xi32>
    %le3A = arith.cmpi sle, %iota3A_36, %iota3A_37 : vector<128x128xi32>
    %convert_element_type3A_38 = arith.extui %le3A : vector<128x128xi1> to vector<128x128xi32>
    %convert_element_type3A_39 = arith.sitofp %convert_element_type3A_38 : vector<128x128xi32> to vector<128x128xf32>
    %broadcast_in_dim3A_40 = arith.constant 1.000000e+00 : f32
    %broadcast_in_dim3A_41 = vector.broadcast %broadcast_in_dim3A_40 : f32 to vector<64x1xf32>
    %broadcast_in_dim3A_42 = arith.constant 0.000000e+00 : f32
    %broadcast_in_dim3A_43 = vector.broadcast %broadcast_in_dim3A_42 : f32 to vector<1x64xf32>
    %slice3A = vector.extract_strided_slice %convert_element_type3A_13 {offsets = [0, 0], sizes = [128, 64], strides = [1, 1]} : vector<4096x64xf32> to vector<128x64xf32>
    %dot_general3A_44 = arith.constant dense<0.000000e+00> : vector<128x64xf32>
    %dot_general3A_45 = tpu.matmul %convert_element_type3A_39, %slice3A, %dot_general3A_44 {dimension_numbers = #tpu.dot_dimension_numbers<[1], [0], [0], [1], [0, 0, 1, 1], [], []>, precision = #tpu.contract_precision<fp32>, transpose_lhs_hint = false} : vector<128x128xf32>, vector<128x64xf32>, vector<128x64xf32> -> vector<128x64xf32>
    %add3A_46 = vector.broadcast %broadcast_in_dim3A_43 : vector<1x64xf32> to vector<128x64xf32>
    %add3A_47 = arith.addf %dot_general3A_45, %add3A_46 : vector<128x64xf32>
    %sub3A = arith.constant 1.000000e+00 : f32
    %sub3A_48 = vector.broadcast %sub3A : f32 to vector<128x64xf32>
    %sub3A_49 = arith.subf %add3A_47, %sub3A_48 : vector<128x64xf32>
    %add3A_50 = vector.broadcast %mul3A_35 : vector<1x64xf32> to vector<128x64xf32>
    %add3A_51 = arith.addf %sub3A_49, %add3A_50 : vector<128x64xf32>
    %mul3A_52 = arith.mulf %slice3A, %add3A_51 : vector<128x64xf32>
    %dot_general3A_53 = arith.constant dense<0.000000e+00> : vector<128x1xf32>
    %dot_general3A_54 = tpu.matmul %mul3A_52, %broadcast_in_dim3A_41, %dot_general3A_53 {dimension_numbers = #tpu.dot_dimension_numbers<[1], [0], [0], [1], [0, 0, 1, 1], [], []>, precision = #tpu.contract_precision<fp32>, transpose_lhs_hint = false} : vector<128x64xf32>, vector<64x1xf32>, vector<128x1xf32> -> vector<128x1xf32>
    %convert_element_type3A_55 = arith.fptosi %dot_general3A_54 : vector<128x1xf32> to vector<128x1xi32>
    %swap3A = arith.constant 0 : index
    %swap3A_56 = arith.constant 0 : index
    %swap3A_57 = vector.load %arg2[%swap3A, %swap3A_56] : memref<4096x1xi32, #tpu.memory_space<vmem>>, vector<128x1xi32>
    tpu.vector_store %arg2[%swap3A, %swap3A_56], %convert_element_type3A_55 {strides = array<i32>} : memref<4096x1xi32, #tpu.memory_space<vmem>>, vector<128x1xi32>,
    %reduce_sum3A_58 = arith.constant dense<0.000000e+00> : vector<64xf32>
    %reduce_sum3A_59 = vector.multi_reduction <add>, %slice3A, %reduce_sum3A_58 [0] : vector<128x64xf32> to vector<64xf32>
    %broadcast_in_dim3A_60 = vector.shape_cast %reduce_sum3A_59 : vector<64xf32> to vector<1x64xf32>
    %add3A_61 = arith.addf %broadcast_in_dim3A_43, %broadcast_in_dim3A_60 : vector<1x64xf32>
    %slice3A_62 = vector.extract_strided_slice %convert_element_type3A_13 {offsets = [128, 0], sizes = [128, 64], strides = [1, 1]} : vector<4096x64xf32> to vector<128x64xf32>
    %dot_general3A_63 = arith.constant dense<0.000000e+00> : vector<128x64xf32>
    %dot_general3A_64 = tpu.matmul %convert_element_type3A_39, %slice3A_62, %dot_general3A_63 {dimension_numbers = #tpu.dot_dimension_numbers<[1], [0], [0], [1], [0, 0, 1, 1], [], []>, precision = #tpu.contract_precision<fp32>, transpose_lhs_hint = false} : vector<128x128xf32>, vector<128x64xf32>, vector<128x64xf32> -> vector<128x64xf32>
    %add3A_65 = vector.broadcast %add3A_61 : vector<1x64xf32> to vector<128x64xf32>
    %add3A_66 = arith.addf %dot_general3A_64, %add3A_65 : vector<128x64xf32>
    %sub3A_67 = arith.constant 1.000000e+00 : f32
    %sub3A_68 = vector.broadcast %sub3A_67 : f32 to vector<128x64xf32>
    %sub3A_69 = arith.subf %add3A_66, %sub3A_68 : vector<128x64xf32>
    %add3A_70 = vector.broadcast %mul3A_35 : vector<1x64xf32> to vector<128x64xf32>
    %add3A_71 = arith.addf %sub3A_69, %add3A_70 : vector<128x64xf32>
    %mul3A_72 = arith.mulf %slice3A_62, %add3A_71 : vector<128x64xf32>
    %dot_general3A_73 = arith.constant dense<0.000000e+00> : vector<128x1xf32>
    %dot_general3A_74 = tpu.matmul %mul3A_72, %broadcast_in_dim3A_41, %dot_general3A_73 {dimension_numbers = #tpu.dot_dimension_numbers<[1], [0], [0], [1], [0, 0, 1, 1], [], []>, precision = #tpu.contract_precision<fp32>, transpose_lhs_hint = false} : vector<128x64xf32>, vector<64x1xf32>, vector<128x1xf32> -> vector<128x1xf32>
    %convert_element_type3A_75 = arith.fptosi %dot_general3A_74 : vector<128x1xf32> to vector<128x1xi32>
    %swap3A_76 = arith.constant 128 : index
    %swap3A_77 = arith.constant 0 : index
    %swap3A_78 = vector.load %arg2[%swap3A_76, %swap3A_77] : memref<4096x1xi32, #tpu.memory_space<vmem>>, vector<128x1xi32>
    tpu.vector_store %arg2[%swap3A_76, %swap3A_77], %convert_element_type3A_75 {strides = array<i32>} : memref<4096x1xi32, #tpu.memory_space<vmem>>, vector<128x1xi32>,
    %reduce_sum3A_79 = arith.constant dense<0.000000e+00> : vector<64xf32>
    %reduce_sum3A_80 = vector.multi_reduction <add>, %slice3A_62, %reduce_sum3A_79 [0] : vector<128x64xf32> to vector<64xf32>
    %broadcast_in_dim3A_81 = vector.shape_cast %reduce_sum3A_80 : vector<64xf32> to vector<1x64xf32>
    %add3A_82 = arith.addf %add3A_61, %broadcast_in_dim3A_81 : vector<1x64xf32>
    %slice3A_83 = vector.extract_strided_slice %convert_element_type3A_13 {offsets = [256, 0], sizes = [128, 64], strides = [1, 1]} : vector<4096x64xf32> to vector<128x64xf32>
    %dot_general3A_84 = arith.constant dense<0.000000e+00> : vector<128x64xf32>
    %dot_general3A_85 = tpu.matmul %convert_element_type3A_39, %slice3A_83, %dot_general3A_84 {dimension_numbers = #tpu.dot_dimension_numbers<[1], [0], [0], [1], [0, 0, 1, 1], [], []>, precision = #tpu.contract_precision<fp32>, transpose_lhs_hint = false} : vector<128x128xf32>, vector<128x64xf32>, vector<128x64xf32> -> vector<128x64xf32>
    %add3A_86 = vector.broadcast %add3A_82 : vector<1x64xf32> to vector<128x64xf32>
    %add3A_87 = arith.addf %dot_general3A_85, %add3A_86 : vector<128x64xf32>
    %sub3A_88 = arith.constant 1.000000e+00 : f32
    %sub3A_89 = vector.broadcast %sub3A_88 : f32 to vector<128x64xf32>
    %sub3A_90 = arith.subf %add3A_87, %sub3A_89 : vector<128x64xf32>
    %add3A_91 = vector.broadcast %mul3A_35 : vector<1x64xf32> to vector<128x64xf32>
    %add3A_92 = arith.addf %sub3A_90, %add3A_91 : vector<128x64xf32>
    %mul3A_93 = arith.mulf %slice3A_83, %add3A_92 : vector<128x64xf32>
    %dot_general3A_94 = arith.constant dense<0.000000e+00> : vector<128x1xf32>
    %dot_general3A_95 = tpu.matmul %mul3A_93, %broadcast_in_dim3A_41, %dot_general3A_94 {dimension_numbers = #tpu.dot_dimension_numbers<[1], [0], [0], [1], [0, 0, 1, 1], [], []>, precision = #tpu.contract_precision<fp32>, transpose_lhs_hint = false} : vector<128x64xf32>, vector<64x1xf32>, vector<128x1xf32> -> vector<128x1xf32>
    %convert_element_type3A_96 = arith.fptosi %dot_general3A_95 : vector<128x1xf32> to vector<128x1xi32>
    %swap3A_97 = arith.constant 256 : index
    %swap3A_98 = arith.constant 0 : index
    %swap3A_99 = vector.load %arg2[%swap3A_97, %swap3A_98] : memref<4096x1xi32, #tpu.memory_space<vmem>>, vector<128x1xi32>
    tpu.vector_store %arg2[%swap3A_97, %swap3A_98], %convert_element_type3A_96 {strides = array<i32>} : memref<4096x1xi32, #tpu.memory_space<vmem>>, vector<128x1xi32>,
    %reduce_sum3A_100 = arith.constant dense<0.000000e+00> : vector<64xf32>
    %reduce_sum3A_101 = vector.multi_reduction <add>, %slice3A_83, %reduce_sum3A_100 [0] : vector<128x64xf32> to vector<64xf32>
    %broadcast_in_dim3A_102 = vector.shape_cast %reduce_sum3A_101 : vector<64xf32> to vector<1x64xf32>
    %add3A_103 = arith.addf %add3A_82, %broadcast_in_dim3A_102 : vector<1x64xf32>
    %slice3A_104 = vector.extract_strided_slice %convert_element_type3A_13 {offsets = [384, 0], sizes = [128, 64], strides = [1, 1]} : vector<4096x64xf32> to vector<128x64xf32>
    %dot_general3A_105 = arith.constant dense<0.000000e+00> : vector<128x64xf32>
    %dot_general3A_106 = tpu.matmul %convert_element_type3A_39, %slice3A_104, %dot_general3A_105 {dimension_numbers = #tpu.dot_dimension_numbers<[1], [0], [0], [1], [0, 0, 1, 1], [], []>, precision = #tpu.contract_precision<fp32>, transpose_lhs_hint = false} : vector<128x128xf32>, vector<128x64xf32>, vector<128x64xf32> -> vector<128x64xf32>
    %add3A_107 = vector.broadcast %add3A_103 : vector<1x64xf32> to vector<128x64xf32>
    %add3A_108 = arith.addf %dot_general3A_106, %add3A_107 : vector<128x64xf32>
    %sub3A_109 = arith.constant 1.000000e+00 : f32
    %sub3A_110 = vector.broadcast %sub3A_109 : f32 to vector<128x64xf32>
    %sub3A_111 = arith.subf %add3A_108, %sub3A_110 : vector<128x64xf32>
    %add3A_112 = vector.broadcast %mul3A_35 : vector<1x64xf32> to vector<128x64xf32>
    %add3A_113 = arith.addf %sub3A_111, %add3A_112 : vector<128x64xf32>
    %mul3A_114 = arith.mulf %slice3A_104, %add3A_113 : vector<128x64xf32>
    %dot_general3A_115 = arith.constant dense<0.000000e+00> : vector<128x1xf32>
    %dot_general3A_116 = tpu.matmul %mul3A_114, %broadcast_in_dim3A_41, %dot_general3A_115 {dimension_numbers = #tpu.dot_dimension_numbers<[1], [0], [0], [1], [0, 0, 1, 1], [], []>, precision = #tpu.contract_precision<fp32>, transpose_lhs_hint = false} : vector<128x64xf32>, vector<64x1xf32>, vector<128x1xf32> -> vector<128x1xf32>
    %convert_element_type3A_117 = arith.fptosi %dot_general3A_116 : vector<128x1xf32> to vector<128x1xi32>
    %swap3A_118 = arith.constant 384 : index
    %swap3A_119 = arith.constant 0 : index
    %swap3A_120 = vector.load %arg2[%swap3A_118, %swap3A_119] : memref<4096x1xi32, #tpu.memory_space<vmem>>, vector<128x1xi32>
    tpu.vector_store %arg2[%swap3A_118, %swap3A_119], %convert_element_type3A_117 {strides = array<i32>} : memref<4096x1xi32, #tpu.memory_space<vmem>>, vector<128x1xi32>,
    %reduce_sum3A_121 = arith.constant dense<0.000000e+00> : vector<64xf32>
    %reduce_sum3A_122 = vector.multi_reduction <add>, %slice3A_104, %reduce_sum3A_121 [0] : vector<128x64xf32> to vector<64xf32>
    %broadcast_in_dim3A_123 = vector.shape_cast %reduce_sum3A_122 : vector<64xf32> to vector<1x64xf32>
    %add3A_124 = arith.addf %add3A_103, %broadcast_in_dim3A_123 : vector<1x64xf32>
    %slice3A_125 = vector.extract_strided_slice %convert_element_type3A_13 {offsets = [512, 0], sizes = [128, 64], strides = [1, 1]} : vector<4096x64xf32> to vector<128x64xf32>
    %dot_general3A_126 = arith.constant dense<0.000000e+00> : vector<128x64xf32>
    %dot_general3A_127 = tpu.matmul %convert_element_type3A_39, %slice3A_125, %dot_general3A_126 {dimension_numbers = #tpu.dot_dimension_numbers<[1], [0], [0], [1], [0, 0, 1, 1], [], []>, precision = #tpu.contract_precision<fp32>, transpose_lhs_hint = false} : vector<128x128xf32>, vector<128x64xf32>, vector<128x64xf32> -> vector<128x64xf32>
    %add3A_128 = vector.broadcast %add3A_124 : vector<1x64xf32> to vector<128x64xf32>
    %add3A_129 = arith.addf %dot_general3A_127, %add3A_128 : vector<128x64xf32>
    %sub3A_130 = arith.constant 1.000000e+00 : f32
    %sub3A_131 = vector.broadcast %sub3A_130 : f32 to vector<128x64xf32>
    %sub3A_132 = arith.subf %add3A_129, %sub3A_131 : vector<128x64xf32>
    %add3A_133 = vector.broadcast %mul3A_35 : vector<1x64xf32> to vector<128x64xf32>
    %add3A_134 = arith.addf %sub3A_132, %add3A_133 : vector<128x64xf32>
    %mul3A_135 = arith.mulf %slice3A_125, %add3A_134 : vector<128x64xf32>
    %dot_general3A_136 = arith.constant dense<0.000000e+00> : vector<128x1xf32>
    %dot_general3A_137 = tpu.matmul %mul3A_135, %broadcast_in_dim3A_41, %dot_general3A_136 {dimension_numbers = #tpu.dot_dimension_numbers<[1], [0], [0], [1], [0, 0, 1, 1], [], []>, precision = #tpu.contract_precision<fp32>, transpose_lhs_hint = false} : vector<128x64xf32>, vector<64x1xf32>, vector<128x1xf32> -> vector<128x1xf32>
    %convert_element_type3A_138 = arith.fptosi %dot_general3A_137 : vector<128x1xf32> to vector<128x1xi32>
    %swap3A_139 = arith.constant 512 : index
    %swap3A_140 = arith.constant 0 : index
    %swap3A_141 = vector.load %arg2[%swap3A_139, %swap3A_140] : memref<4096x1xi32, #tpu.memory_space<vmem>>, vector<128x1xi32>
    tpu.vector_store %arg2[%swap3A_139, %swap3A_140], %convert_element_type3A_138 {strides = array<i32>} : memref<4096x1xi32, #tpu.memory_space<vmem>>, vector<128x1xi32>,
    %reduce_sum3A_142 = arith.constant dense<0.000000e+00> : vector<64xf32>
    %reduce_sum3A_143 = vector.multi_reduction <add>, %slice3A_125, %reduce_sum3A_142 [0] : vector<128x64xf32> to vector<64xf32>
    %broadcast_in_dim3A_144 = vector.shape_cast %reduce_sum3A_143 : vector<64xf32> to vector<1x64xf32>
    %add3A_145 = arith.addf %add3A_124, %broadcast_in_dim3A_144 : vector<1x64xf32>
    %slice3A_146 = vector.extract_strided_slice %convert_element_type3A_13 {offsets = [640, 0], sizes = [128, 64], strides = [1, 1]} : vector<4096x64xf32> to vector<128x64xf32>
    %dot_general3A_147 = arith.constant dense<0.000000e+00> : vector<128x64xf32>
    %dot_general3A_148 = tpu.matmul %convert_element_type3A_39, %slice3A_146, %dot_general3A_147 {dimension_numbers = #tpu.dot_dimension_numbers<[1], [0], [0], [1], [0, 0, 1, 1], [], []>, precision = #tpu.contract_precision<fp32>, transpose_lhs_hint = false} : vector<128x128xf32>, vector<128x64xf32>, vector<128x64xf32> -> vector<128x64xf32>
    %add3A_149 = vector.broadcast %add3A_145 : vector<1x64xf32> to vector<128x64xf32>
    %add3A_150 = arith.addf %dot_general3A_148, %add3A_149 : vector<128x64xf32>
    %sub3A_151 = arith.constant 1.000000e+00 : f32
    %sub3A_152 = vector.broadcast %sub3A_151 : f32 to vector<128x64xf32>
    %sub3A_153 = arith.subf %add3A_150, %sub3A_152 : vector<128x64xf32>
    %add3A_154 = vector.broadcast %mul3A_35 : vector<1x64xf32> to vector<128x64xf32>
    %add3A_155 = arith.addf %sub3A_153, %add3A_154 : vector<128x64xf32>
    %mul3A_156 = arith.mulf %slice3A_146, %add3A_155 : vector<128x64xf32>
    %dot_general3A_157 = arith.constant dense<0.000000e+00> : vector<128x1xf32>
    %dot_general3A_158 = tpu.matmul %mul3A_156, %broadcast_in_dim3A_41, %dot_general3A_157 {dimension_numbers = #tpu.dot_dimension_numbers<[1], [0], [0], [1], [0, 0, 1, 1], [], []>, precision = #tpu.contract_precision<fp32>, transpose_lhs_hint = false} : vector<128x64xf32>, vector<64x1xf32>, vector<128x1xf32> -> vector<128x1xf32>
    %convert_element_type3A_159 = arith.fptosi %dot_general3A_158 : vector<128x1xf32> to vector<128x1xi32>
    %swap3A_160 = arith.constant 640 : index
    %swap3A_161 = arith.constant 0 : index
    %swap3A_162 = vector.load %arg2[%swap3A_160, %swap3A_161] : memref<4096x1xi32, #tpu.memory_space<vmem>>, vector<128x1xi32>
    tpu.vector_store %arg2[%swap3A_160, %swap3A_161], %convert_element_type3A_159 {strides = array<i32>} : memref<4096x1xi32, #tpu.memory_space<vmem>>, vector<128x1xi32>,
    %reduce_sum3A_163 = arith.constant dense<0.000000e+00> : vector<64xf32>
    %reduce_sum3A_164 = vector.multi_reduction <add>, %slice3A_146, %reduce_sum3A_163 [0] : vector<128x64xf32> to vector<64xf32>
    %broadcast_in_dim3A_165 = vector.shape_cast %reduce_sum3A_164 : vector<64xf32> to vector<1x64xf32>
    %add3A_166 = arith.addf %add3A_145, %broadcast_in_dim3A_165 : vector<1x64xf32>
    %slice3A_167 = vector.extract_strided_slice %convert_element_type3A_13 {offsets = [768, 0], sizes = [128, 64], strides = [1, 1]} : vector<4096x64xf32> to vector<128x64xf32>
    %dot_general3A_168 = arith.constant dense<0.000000e+00> : vector<128x64xf32>
    %dot_general3A_169 = tpu.matmul %convert_element_type3A_39, %slice3A_167, %dot_general3A_168 {dimension_numbers = #tpu.dot_dimension_numbers<[1], [0], [0], [1], [0, 0, 1, 1], [], []>, precision = #tpu.contract_precision<fp32>, transpose_lhs_hint = false} : vector<128x128xf32>, vector<128x64xf32>, vector<128x64xf32> -> vector<128x64xf32>
    %add3A_170 = vector.broadcast %add3A_166 : vector<1x64xf32> to vector<128x64xf32>
    %add3A_171 = arith.addf %dot_general3A_169, %add3A_170 : vector<128x64xf32>
    %sub3A_172 = arith.constant 1.000000e+00 : f32
    %sub3A_173 = vector.broadcast %sub3A_172 : f32 to vector<128x64xf32>
    %sub3A_174 = arith.subf %add3A_171, %sub3A_173 : vector<128x64xf32>
    %add3A_175 = vector.broadcast %mul3A_35 : vector<1x64xf32> to vector<128x64xf32>
    %add3A_176 = arith.addf %sub3A_174, %add3A_175 : vector<128x64xf32>
    %mul3A_177 = arith.mulf %slice3A_167, %add3A_176 : vector<128x64xf32>
    %dot_general3A_178 = arith.constant dense<0.000000e+00> : vector<128x1xf32>
    %dot_general3A_179 = tpu.matmul %mul3A_177, %broadcast_in_dim3A_41, %dot_general3A_178 {dimension_numbers = #tpu.dot_dimension_numbers<[1], [0], [0], [1], [0, 0, 1, 1], [], []>, precision = #tpu.contract_precision<fp32>, transpose_lhs_hint = false} : vector<128x64xf32>, vector<64x1xf32>, vector<128x1xf32> -> vector<128x1xf32>
    %convert_element_type3A_180 = arith.fptosi %dot_general3A_179 : vector<128x1xf32> to vector<128x1xi32>
    %swap3A_181 = arith.constant 768 : index
    %swap3A_182 = arith.constant 0 : index
    %swap3A_183 = vector.load %arg2[%swap3A_181, %swap3A_182] : memref<4096x1xi32, #tpu.memory_space<vmem>>, vector<128x1xi32>
    tpu.vector_store %arg2[%swap3A_181, %swap3A_182], %convert_element_type3A_180 {strides = array<i32>} : memref<4096x1xi32, #tpu.memory_space<vmem>>, vector<128x1xi32>,
    %reduce_sum3A_184 = arith.constant dense<0.000000e+00> : vector<64xf32>
    %reduce_sum3A_185 = vector.multi_reduction <add>, %slice3A_167, %reduce_sum3A_184 [0] : vector<128x64xf32> to vector<64xf32>
    %broadcast_in_dim3A_186 = vector.shape_cast %reduce_sum3A_185 : vector<64xf32> to vector<1x64xf32>
    %add3A_187 = arith.addf %add3A_166, %broadcast_in_dim3A_186 : vector<1x64xf32>
    %slice3A_188 = vector.extract_strided_slice %convert_element_type3A_13 {offsets = [896, 0], sizes = [128, 64], strides = [1, 1]} : vector<4096x64xf32> to vector<128x64xf32>
    %dot_general3A_189 = arith.constant dense<0.000000e+00> : vector<128x64xf32>
    %dot_general3A_190 = tpu.matmul %convert_element_type3A_39, %slice3A_188, %dot_general3A_189 {dimension_numbers = #tpu.dot_dimension_numbers<[1], [0], [0], [1], [0, 0, 1, 1], [], []>, precision = #tpu.contract_precision<fp32>, transpose_lhs_hint = false} : vector<128x128xf32>, vector<128x64xf32>, vector<128x64xf32> -> vector<128x64xf32>
    %add3A_191 = vector.broadcast %add3A_187 : vector<1x64xf32> to vector<128x64xf32>
    %add3A_192 = arith.addf %dot_general3A_190, %add3A_191 : vector<128x64xf32>
    %sub3A_193 = arith.constant 1.000000e+00 : f32
    %sub3A_194 = vector.broadcast %sub3A_193 : f32 to vector<128x64xf32>
    %sub3A_195 = arith.subf %add3A_192, %sub3A_194 : vector<128x64xf32>
    %add3A_196 = vector.broadcast %mul3A_35 : vector<1x64xf32> to vector<128x64xf32>
    %add3A_197 = arith.addf %sub3A_195, %add3A_196 : vector<128x64xf32>
    %mul3A_198 = arith.mulf %slice3A_188, %add3A_197 : vector<128x64xf32>
    %dot_general3A_199 = arith.constant dense<0.000000e+00> : vector<128x1xf32>
    %dot_general3A_200 = tpu.matmul %mul3A_198, %broadcast_in_dim3A_41, %dot_general3A_199 {dimension_numbers = #tpu.dot_dimension_numbers<[1], [0], [0], [1], [0, 0, 1, 1], [], []>, precision = #tpu.contract_precision<fp32>, transpose_lhs_hint = false} : vector<128x64xf32>, vector<64x1xf32>, vector<128x1xf32> -> vector<128x1xf32>
    %convert_element_type3A_201 = arith.fptosi %dot_general3A_200 : vector<128x1xf32> to vector<128x1xi32>
    %swap3A_202 = arith.constant 896 : index
    %swap3A_203 = arith.constant 0 : index
    %swap3A_204 = vector.load %arg2[%swap3A_202, %swap3A_203] : memref<4096x1xi32, #tpu.memory_space<vmem>>, vector<128x1xi32>
    tpu.vector_store %arg2[%swap3A_202, %swap3A_203], %convert_element_type3A_201 {strides = array<i32>} : memref<4096x1xi32, #tpu.memory_space<vmem>>, vector<128x1xi32>,
    %reduce_sum3A_205 = arith.constant dense<0.000000e+00> : vector<64xf32>
    %reduce_sum3A_206 = vector.multi_reduction <add>, %slice3A_188, %reduce_sum3A_205 [0] : vector<128x64xf32> to vector<64xf32>
    %broadcast_in_dim3A_207 = vector.shape_cast %reduce_sum3A_206 : vector<64xf32> to vector<1x64xf32>
    %add3A_208 = arith.addf %add3A_187, %broadcast_in_dim3A_207 : vector<1x64xf32>
    %slice3A_209 = vector.extract_strided_slice %convert_element_type3A_13 {offsets = [1024, 0], sizes = [128, 64], strides = [1, 1]} : vector<4096x64xf32> to vector<128x64xf32>
    %dot_general3A_210 = arith.constant dense<0.000000e+00> : vector<128x64xf32>
    %dot_general3A_211 = tpu.matmul %convert_element_type3A_39, %slice3A_209, %dot_general3A_210 {dimension_numbers = #tpu.dot_dimension_numbers<[1], [0], [0], [1], [0, 0, 1, 1], [], []>, precision = #tpu.contract_precision<fp32>, transpose_lhs_hint = false} : vector<128x128xf32>, vector<128x64xf32>, vector<128x64xf32> -> vector<128x64xf32>
    %add3A_212 = vector.broadcast %add3A_208 : vector<1x64xf32> to vector<128x64xf32>
    %add3A_213 = arith.addf %dot_general3A_211, %add3A_212 : vector<128x64xf32>
    %sub3A_214 = arith.constant 1.000000e+00 : f32
    %sub3A_215 = vector.broadcast %sub3A_214 : f32 to vector<128x64xf32>
    %sub3A_216 = arith.subf %add3A_213, %sub3A_215 : vector<128x64xf32>
    %add3A_217 = vector.broadcast %mul3A_35 : vector<1x64xf32> to vector<128x64xf32>
    %add3A_218 = arith.addf %sub3A_216, %add3A_217 : vector<128x64xf32>
    %mul3A_219 = arith.mulf %slice3A_209, %add3A_218 : vector<128x64xf32>
    %dot_general3A_220 = arith.constant dense<0.000000e+00> : vector<128x1xf32>
    %dot_general3A_221 = tpu.matmul %mul3A_219, %broadcast_in_dim3A_41, %dot_general3A_220 {dimension_numbers = #tpu.dot_dimension_numbers<[1], [0], [0], [1], [0, 0, 1, 1], [], []>, precision = #tpu.contract_precision<fp32>, transpose_lhs_hint = false} : vector<128x64xf32>, vector<64x1xf32>, vector<128x1xf32> -> vector<128x1xf32>
    %convert_element_type3A_222 = arith.fptosi %dot_general3A_221 : vector<128x1xf32> to vector<128x1xi32>
    %swap3A_223 = arith.constant 1024 : index
    %swap3A_224 = arith.constant 0 : index
    %swap3A_225 = vector.load %arg2[%swap3A_223, %swap3A_224] : memref<4096x1xi32, #tpu.memory_space<vmem>>, vector<128x1xi32>
    tpu.vector_store %arg2[%swap3A_223, %swap3A_224], %convert_element_type3A_222 {strides = array<i32>} : memref<4096x1xi32, #tpu.memory_space<vmem>>, vector<128x1xi32>,
    %reduce_sum3A_226 = arith.constant dense<0.000000e+00> : vector<64xf32>
    %reduce_sum3A_227 = vector.multi_reduction <add>, %slice3A_209, %reduce_sum3A_226 [0] : vector<128x64xf32> to vector<64xf32>
    %broadcast_in_dim3A_228 = vector.shape_cast %reduce_sum3A_227 : vector<64xf32> to vector<1x64xf32>
    %add3A_229 = arith.addf %add3A_208, %broadcast_in_dim3A_228 : vector<1x64xf32>
    %slice3A_230 = vector.extract_strided_slice %convert_element_type3A_13 {offsets = [1152, 0], sizes = [128, 64], strides = [1, 1]} : vector<4096x64xf32> to vector<128x64xf32>
    %dot_general3A_231 = arith.constant dense<0.000000e+00> : vector<128x64xf32>
    %dot_general3A_232 = tpu.matmul %convert_element_type3A_39, %slice3A_230, %dot_general3A_231 {dimension_numbers = #tpu.dot_dimension_numbers<[1], [0], [0], [1], [0, 0, 1, 1], [], []>, precision = #tpu.contract_precision<fp32>, transpose_lhs_hint = false} : vector<128x128xf32>, vector<128x64xf32>, vector<128x64xf32> -> vector<128x64xf32>
    %add3A_233 = vector.broadcast %add3A_229 : vector<1x64xf32> to vector<128x64xf32>
    %add3A_234 = arith.addf %dot_general3A_232, %add3A_233 : vector<128x64xf32>
    %sub3A_235 = arith.constant 1.000000e+00 : f32
    %sub3A_236 = vector.broadcast %sub3A_235 : f32 to vector<128x64xf32>
    %sub3A_237 = arith.subf %add3A_234, %sub3A_236 : vector<128x64xf32>
    %add3A_238 = vector.broadcast %mul3A_35 : vector<1x64xf32> to vector<128x64xf32>
    %add3A_239 = arith.addf %sub3A_237, %add3A_238 : vector<128x64xf32>
    %mul3A_240 = arith.mulf %slice3A_230, %add3A_239 : vector<128x64xf32>
    %dot_general3A_241 = arith.constant dense<0.000000e+00> : vector<128x1xf32>
    %dot_general3A_242 = tpu.matmul %mul3A_240, %broadcast_in_dim3A_41, %dot_general3A_241 {dimension_numbers = #tpu.dot_dimension_numbers<[1], [0], [0], [1], [0, 0, 1, 1], [], []>, precision = #tpu.contract_precision<fp32>, transpose_lhs_hint = false} : vector<128x64xf32>, vector<64x1xf32>, vector<128x1xf32> -> vector<128x1xf32>
    %convert_element_type3A_243 = arith.fptosi %dot_general3A_242 : vector<128x1xf32> to vector<128x1xi32>
    %swap3A_244 = arith.constant 1152 : index
    %swap3A_245 = arith.constant 0 : index
    %swap3A_246 = vector.load %arg2[%swap3A_244, %swap3A_245] : memref<4096x1xi32, #tpu.memory_space<vmem>>, vector<128x1xi32>
    tpu.vector_store %arg2[%swap3A_244, %swap3A_245], %convert_element_type3A_243 {strides = array<i32>} : memref<4096x1xi32, #tpu.memory_space<vmem>>, vector<128x1xi32>,
    %reduce_sum3A_247 = arith.constant dense<0.000000e+00> : vector<64xf32>
    %reduce_sum3A_248 = vector.multi_reduction <add>, %slice3A_230, %reduce_sum3A_247 [0] : vector<128x64xf32> to vector<64xf32>
    %broadcast_in_dim3A_249 = vector.shape_cast %reduce_sum3A_248 : vector<64xf32> to vector<1x64xf32>
    %add3A_250 = arith.addf %add3A_229, %broadcast_in_dim3A_249 : vector<1x64xf32>
    %slice3A_251 = vector.extract_strided_slice %convert_element_type3A_13 {offsets = [1280, 0], sizes = [128, 64], strides = [1, 1]} : vector<4096x64xf32> to vector<128x64xf32>
    %dot_general3A_252 = arith.constant dense<0.000000e+00> : vector<128x64xf32>
    %dot_general3A_253 = tpu.matmul %convert_element_type3A_39, %slice3A_251, %dot_general3A_252 {dimension_numbers = #tpu.dot_dimension_numbers<[1], [0], [0], [1], [0, 0, 1, 1], [], []>, precision = #tpu.contract_precision<fp32>, transpose_lhs_hint = false} : vector<128x128xf32>, vector<128x64xf32>, vector<128x64xf32> -> vector<128x64xf32>
    %add3A_254 = vector.broadcast %add3A_250 : vector<1x64xf32> to vector<128x64xf32>
    %add3A_255 = arith.addf %dot_general3A_253, %add3A_254 : vector<128x64xf32>
    %sub3A_256 = arith.constant 1.000000e+00 : f32
    %sub3A_257 = vector.broadcast %sub3A_256 : f32 to vector<128x64xf32>
    %sub3A_258 = arith.subf %add3A_255, %sub3A_257 : vector<128x64xf32>
    %add3A_259 = vector.broadcast %mul3A_35 : vector<1x64xf32> to vector<128x64xf32>
    %add3A_260 = arith.addf %sub3A_258, %add3A_259 : vector<128x64xf32>
    %mul3A_261 = arith.mulf %slice3A_251, %add3A_260 : vector<128x64xf32>
    %dot_general3A_262 = arith.constant dense<0.000000e+00> : vector<128x1xf32>
    %dot_general3A_263 = tpu.matmul %mul3A_261, %broadcast_in_dim3A_41, %dot_general3A_262 {dimension_numbers = #tpu.dot_dimension_numbers<[1], [0], [0], [1], [0, 0, 1, 1], [], []>, precision = #tpu.contract_precision<fp32>, transpose_lhs_hint = false} : vector<128x64xf32>, vector<64x1xf32>, vector<128x1xf32> -> vector<128x1xf32>
    %convert_element_type3A_264 = arith.fptosi %dot_general3A_263 : vector<128x1xf32> to vector<128x1xi32>
    %swap3A_265 = arith.constant 1280 : index
    %swap3A_266 = arith.constant 0 : index
    %swap3A_267 = vector.load %arg2[%swap3A_265, %swap3A_266] : memref<4096x1xi32, #tpu.memory_space<vmem>>, vector<128x1xi32>
    tpu.vector_store %arg2[%swap3A_265, %swap3A_266], %convert_element_type3A_264 {strides = array<i32>} : memref<4096x1xi32, #tpu.memory_space<vmem>>, vector<128x1xi32>,
    %reduce_sum3A_268 = arith.constant dense<0.000000e+00> : vector<64xf32>
    %reduce_sum3A_269 = vector.multi_reduction <add>, %slice3A_251, %reduce_sum3A_268 [0] : vector<128x64xf32> to vector<64xf32>
    %broadcast_in_dim3A_270 = vector.shape_cast %reduce_sum3A_269 : vector<64xf32> to vector<1x64xf32>
    %add3A_271 = arith.addf %add3A_250, %broadcast_in_dim3A_270 : vector<1x64xf32>
    %slice3A_272 = vector.extract_strided_slice %convert_element_type3A_13 {offsets = [1408, 0], sizes = [128, 64], strides = [1, 1]} : vector<4096x64xf32> to vector<128x64xf32>
    %dot_general3A_273 = arith.constant dense<0.000000e+00> : vector<128x64xf32>
    %dot_general3A_274 = tpu.matmul %convert_element_type3A_39, %slice3A_272, %dot_general3A_273 {dimension_numbers = #tpu.dot_dimension_numbers<[1], [0], [0], [1], [0, 0, 1, 1], [], []>, precision = #tpu.contract_precision<fp32>, transpose_lhs_hint = false} : vector<128x128xf32>, vector<128x64xf32>, vector<128x64xf32> -> vector<128x64xf32>
    %add3A_275 = vector.broadcast %add3A_271 : vector<1x64xf32> to vector<128x64xf32>
    %add3A_276 = arith.addf %dot_general3A_274, %add3A_275 : vector<128x64xf32>
    %sub3A_277 = arith.constant 1.000000e+00 : f32
    %sub3A_278 = vector.broadcast %sub3A_277 : f32 to vector<128x64xf32>
    %sub3A_279 = arith.subf %add3A_276, %sub3A_278 : vector<128x64xf32>
    %add3A_280 = vector.broadcast %mul3A_35 : vector<1x64xf32> to vector<128x64xf32>
    %add3A_281 = arith.addf %sub3A_279, %add3A_280 : vector<128x64xf32>
    %mul3A_282 = arith.mulf %slice3A_272, %add3A_281 : vector<128x64xf32>
    %dot_general3A_283 = arith.constant dense<0.000000e+00> : vector<128x1xf32>
    %dot_general3A_284 = tpu.matmul %mul3A_282, %broadcast_in_dim3A_41, %dot_general3A_283 {dimension_numbers = #tpu.dot_dimension_numbers<[1], [0], [0], [1], [0, 0, 1, 1], [], []>, precision = #tpu.contract_precision<fp32>, transpose_lhs_hint = false} : vector<128x64xf32>, vector<64x1xf32>, vector<128x1xf32> -> vector<128x1xf32>
    %convert_element_type3A_285 = arith.fptosi %dot_general3A_284 : vector<128x1xf32> to vector<128x1xi32>
    %swap3A_286 = arith.constant 1408 : index
    %swap3A_287 = arith.constant 0 : index
    %swap3A_288 = vector.load %arg2[%swap3A_286, %swap3A_287] : memref<4096x1xi32, #tpu.memory_space<vmem>>, vector<128x1xi32>
    tpu.vector_store %arg2[%swap3A_286, %swap3A_287], %convert_element_type3A_285 {strides = array<i32>} : memref<4096x1xi32, #tpu.memory_space<vmem>>, vector<128x1xi32>,
    %reduce_sum3A_289 = arith.constant dense<0.000000e+00> : vector<64xf32>
    %reduce_sum3A_290 = vector.multi_reduction <add>, %slice3A_272, %reduce_sum3A_289 [0] : vector<128x64xf32> to vector<64xf32>
    %broadcast_in_dim3A_291 = vector.shape_cast %reduce_sum3A_290 : vector<64xf32> to vector<1x64xf32>
    %add3A_292 = arith.addf %add3A_271, %broadcast_in_dim3A_291 : vector<1x64xf32>
    %slice3A_293 = vector.extract_strided_slice %convert_element_type3A_13 {offsets = [1536, 0], sizes = [128, 64], strides = [1, 1]} : vector<4096x64xf32> to vector<128x64xf32>
    %dot_general3A_294 = arith.constant dense<0.000000e+00> : vector<128x64xf32>
    %dot_general3A_295 = tpu.matmul %convert_element_type3A_39, %slice3A_293, %dot_general3A_294 {dimension_numbers = #tpu.dot_dimension_numbers<[1], [0], [0], [1], [0, 0, 1, 1], [], []>, precision = #tpu.contract_precision<fp32>, transpose_lhs_hint = false} : vector<128x128xf32>, vector<128x64xf32>, vector<128x64xf32> -> vector<128x64xf32>
    %add3A_296 = vector.broadcast %add3A_292 : vector<1x64xf32> to vector<128x64xf32>
    %add3A_297 = arith.addf %dot_general3A_295, %add3A_296 : vector<128x64xf32>
    %sub3A_298 = arith.constant 1.000000e+00 : f32
    %sub3A_299 = vector.broadcast %sub3A_298 : f32 to vector<128x64xf32>
    %sub3A_300 = arith.subf %add3A_297, %sub3A_299 : vector<128x64xf32>
    %add3A_301 = vector.broadcast %mul3A_35 : vector<1x64xf32> to vector<128x64xf32>
    %add3A_302 = arith.addf %sub3A_300, %add3A_301 : vector<128x64xf32>
    %mul3A_303 = arith.mulf %slice3A_293, %add3A_302 : vector<128x64xf32>
    %dot_general3A_304 = arith.constant dense<0.000000e+00> : vector<128x1xf32>
    %dot_general3A_305 = tpu.matmul %mul3A_303, %broadcast_in_dim3A_41, %dot_general3A_304 {dimension_numbers = #tpu.dot_dimension_numbers<[1], [0], [0], [1], [0, 0, 1, 1], [], []>, precision = #tpu.contract_precision<fp32>, transpose_lhs_hint = false} : vector<128x64xf32>, vector<64x1xf32>, vector<128x1xf32> -> vector<128x1xf32>
    %convert_element_type3A_306 = arith.fptosi %dot_general3A_305 : vector<128x1xf32> to vector<128x1xi32>
    %swap3A_307 = arith.constant 1536 : index
    %swap3A_308 = arith.constant 0 : index
    %swap3A_309 = vector.load %arg2[%swap3A_307, %swap3A_308] : memref<4096x1xi32, #tpu.memory_space<vmem>>, vector<128x1xi32>
    tpu.vector_store %arg2[%swap3A_307, %swap3A_308], %convert_element_type3A_306 {strides = array<i32>} : memref<4096x1xi32, #tpu.memory_space<vmem>>, vector<128x1xi32>,
    %reduce_sum3A_310 = arith.constant dense<0.000000e+00> : vector<64xf32>
    %reduce_sum3A_311 = vector.multi_reduction <add>, %slice3A_293, %reduce_sum3A_310 [0] : vector<128x64xf32> to vector<64xf32>
    %broadcast_in_dim3A_312 = vector.shape_cast %reduce_sum3A_311 : vector<64xf32> to vector<1x64xf32>
    %add3A_313 = arith.addf %add3A_292, %broadcast_in_dim3A_312 : vector<1x64xf32>
    %slice3A_314 = vector.extract_strided_slice %convert_element_type3A_13 {offsets = [1664, 0], sizes = [128, 64], strides = [1, 1]} : vector<4096x64xf32> to vector<128x64xf32>
    %dot_general3A_315 = arith.constant dense<0.000000e+00> : vector<128x64xf32>
    %dot_general3A_316 = tpu.matmul %convert_element_type3A_39, %slice3A_314, %dot_general3A_315 {dimension_numbers = #tpu.dot_dimension_numbers<[1], [0], [0], [1], [0, 0, 1, 1], [], []>, precision = #tpu.contract_precision<fp32>, transpose_lhs_hint = false} : vector<128x128xf32>, vector<128x64xf32>, vector<128x64xf32> -> vector<128x64xf32>
    %add3A_317 = vector.broadcast %add3A_313 : vector<1x64xf32> to vector<128x64xf32>
    %add3A_318 = arith.addf %dot_general3A_316, %add3A_317 : vector<128x64xf32>
    %sub3A_319 = arith.constant 1.000000e+00 : f32
    %sub3A_320 = vector.broadcast %sub3A_319 : f32 to vector<128x64xf32>
    %sub3A_321 = arith.subf %add3A_318, %sub3A_320 : vector<128x64xf32>
    %add3A_322 = vector.broadcast %mul3A_35 : vector<1x64xf32> to vector<128x64xf32>
    %add3A_323 = arith.addf %sub3A_321, %add3A_322 : vector<128x64xf32>
    %mul3A_324 = arith.mulf %slice3A_314, %add3A_323 : vector<128x64xf32>
    %dot_general3A_325 = arith.constant dense<0.000000e+00> : vector<128x1xf32>
    %dot_general3A_326 = tpu.matmul %mul3A_324, %broadcast_in_dim3A_41, %dot_general3A_325 {dimension_numbers = #tpu.dot_dimension_numbers<[1], [0], [0], [1], [0, 0, 1, 1], [], []>, precision = #tpu.contract_precision<fp32>, transpose_lhs_hint = false} : vector<128x64xf32>, vector<64x1xf32>, vector<128x1xf32> -> vector<128x1xf32>
    %convert_element_type3A_327 = arith.fptosi %dot_general3A_326 : vector<128x1xf32> to vector<128x1xi32>
    %swap3A_328 = arith.constant 1664 : index
    %swap3A_329 = arith.constant 0 : index
    %swap3A_330 = vector.load %arg2[%swap3A_328, %swap3A_329] : memref<4096x1xi32, #tpu.memory_space<vmem>>, vector<128x1xi32>
    tpu.vector_store %arg2[%swap3A_328, %swap3A_329], %convert_element_type3A_327 {strides = array<i32>} : memref<4096x1xi32, #tpu.memory_space<vmem>>, vector<128x1xi32>,
    %reduce_sum3A_331 = arith.constant dense<0.000000e+00> : vector<64xf32>
    %reduce_sum3A_332 = vector.multi_reduction <add>, %slice3A_314, %reduce_sum3A_331 [0] : vector<128x64xf32> to vector<64xf32>
    %broadcast_in_dim3A_333 = vector.shape_cast %reduce_sum3A_332 : vector<64xf32> to vector<1x64xf32>
    %add3A_334 = arith.addf %add3A_313, %broadcast_in_dim3A_333 : vector<1x64xf32>
    %slice3A_335 = vector.extract_strided_slice %convert_element_type3A_13 {offsets = [1792, 0], sizes = [128, 64], strides = [1, 1]} : vector<4096x64xf32> to vector<128x64xf32>
    %dot_general3A_336 = arith.constant dense<0.000000e+00> : vector<128x64xf32>
    %dot_general3A_337 = tpu.matmul %convert_element_type3A_39, %slice3A_335, %dot_general3A_336 {dimension_numbers = #tpu.dot_dimension_numbers<[1], [0], [0], [1], [0, 0, 1, 1], [], []>, precision = #tpu.contract_precision<fp32>, transpose_lhs_hint = false} : vector<128x128xf32>, vector<128x64xf32>, vector<128x64xf32> -> vector<128x64xf32>
    %add3A_338 = vector.broadcast %add3A_334 : vector<1x64xf32> to vector<128x64xf32>
    %add3A_339 = arith.addf %dot_general3A_337, %add3A_338 : vector<128x64xf32>
    %sub3A_340 = arith.constant 1.000000e+00 : f32
    %sub3A_341 = vector.broadcast %sub3A_340 : f32 to vector<128x64xf32>
    %sub3A_342 = arith.subf %add3A_339, %sub3A_341 : vector<128x64xf32>
    %add3A_343 = vector.broadcast %mul3A_35 : vector<1x64xf32> to vector<128x64xf32>
    %add3A_344 = arith.addf %sub3A_342, %add3A_343 : vector<128x64xf32>
    %mul3A_345 = arith.mulf %slice3A_335, %add3A_344 : vector<128x64xf32>
    %dot_general3A_346 = arith.constant dense<0.000000e+00> : vector<128x1xf32>
    %dot_general3A_347 = tpu.matmul %mul3A_345, %broadcast_in_dim3A_41, %dot_general3A_346 {dimension_numbers = #tpu.dot_dimension_numbers<[1], [0], [0], [1], [0, 0, 1, 1], [], []>, precision = #tpu.contract_precision<fp32>, transpose_lhs_hint = false} : vector<128x64xf32>, vector<64x1xf32>, vector<128x1xf32> -> vector<128x1xf32>
    %convert_element_type3A_348 = arith.fptosi %dot_general3A_347 : vector<128x1xf32> to vector<128x1xi32>
    %swap3A_349 = arith.constant 1792 : index
    %swap3A_350 = arith.constant 0 : index
    %swap3A_351 = vector.load %arg2[%swap3A_349, %swap3A_350] : memref<4096x1xi32, #tpu.memory_space<vmem>>, vector<128x1xi32>
    tpu.vector_store %arg2[%swap3A_349, %swap3A_350], %convert_element_type3A_348 {strides = array<i32>} : memref<4096x1xi32, #tpu.memory_space<vmem>>, vector<128x1xi32>,
    %reduce_sum3A_352 = arith.constant dense<0.000000e+00> : vector<64xf32>
    %reduce_sum3A_353 = vector.multi_reduction <add>, %slice3A_335, %reduce_sum3A_352 [0] : vector<128x64xf32> to vector<64xf32>
    %broadcast_in_dim3A_354 = vector.shape_cast %reduce_sum3A_353 : vector<64xf32> to vector<1x64xf32>
    %add3A_355 = arith.addf %add3A_334, %broadcast_in_dim3A_354 : vector<1x64xf32>
    %slice3A_356 = vector.extract_strided_slice %convert_element_type3A_13 {offsets = [1920, 0], sizes = [128, 64], strides = [1, 1]} : vector<4096x64xf32> to vector<128x64xf32>
    %dot_general3A_357 = arith.constant dense<0.000000e+00> : vector<128x64xf32>
    %dot_general3A_358 = tpu.matmul %convert_element_type3A_39, %slice3A_356, %dot_general3A_357 {dimension_numbers = #tpu.dot_dimension_numbers<[1], [0], [0], [1], [0, 0, 1, 1], [], []>, precision = #tpu.contract_precision<fp32>, transpose_lhs_hint = false} : vector<128x128xf32>, vector<128x64xf32>, vector<128x64xf32> -> vector<128x64xf32>
    %add3A_359 = vector.broadcast %add3A_355 : vector<1x64xf32> to vector<128x64xf32>
    %add3A_360 = arith.addf %dot_general3A_358, %add3A_359 : vector<128x64xf32>
    %sub3A_361 = arith.constant 1.000000e+00 : f32
    %sub3A_362 = vector.broadcast %sub3A_361 : f32 to vector<128x64xf32>
    %sub3A_363 = arith.subf %add3A_360, %sub3A_362 : vector<128x64xf32>
    %add3A_364 = vector.broadcast %mul3A_35 : vector<1x64xf32> to vector<128x64xf32>
    %add3A_365 = arith.addf %sub3A_363, %add3A_364 : vector<128x64xf32>
    %mul3A_366 = arith.mulf %slice3A_356, %add3A_365 : vector<128x64xf32>
    %dot_general3A_367 = arith.constant dense<0.000000e+00> : vector<128x1xf32>
    %dot_general3A_368 = tpu.matmul %mul3A_366, %broadcast_in_dim3A_41, %dot_general3A_367 {dimension_numbers = #tpu.dot_dimension_numbers<[1], [0], [0], [1], [0, 0, 1, 1], [], []>, precision = #tpu.contract_precision<fp32>, transpose_lhs_hint = false} : vector<128x64xf32>, vector<64x1xf32>, vector<128x1xf32> -> vector<128x1xf32>
    %convert_element_type3A_369 = arith.fptosi %dot_general3A_368 : vector<128x1xf32> to vector<128x1xi32>
    %swap3A_370 = arith.constant 1920 : index
    %swap3A_371 = arith.constant 0 : index
    %swap3A_372 = vector.load %arg2[%swap3A_370, %swap3A_371] : memref<4096x1xi32, #tpu.memory_space<vmem>>, vector<128x1xi32>
    tpu.vector_store %arg2[%swap3A_370, %swap3A_371], %convert_element_type3A_369 {strides = array<i32>} : memref<4096x1xi32, #tpu.memory_space<vmem>>, vector<128x1xi32>,
    %reduce_sum3A_373 = arith.constant dense<0.000000e+00> : vector<64xf32>
    %reduce_sum3A_374 = vector.multi_reduction <add>, %slice3A_356, %reduce_sum3A_373 [0] : vector<128x64xf32> to vector<64xf32>
    %broadcast_in_dim3A_375 = vector.shape_cast %reduce_sum3A_374 : vector<64xf32> to vector<1x64xf32>
    %add3A_376 = arith.addf %add3A_355, %broadcast_in_dim3A_375 : vector<1x64xf32>
    %slice3A_377 = vector.extract_strided_slice %convert_element_type3A_13 {offsets = [2048, 0], sizes = [128, 64], strides = [1, 1]} : vector<4096x64xf32> to vector<128x64xf32>
    %dot_general3A_378 = arith.constant dense<0.000000e+00> : vector<128x64xf32>
    %dot_general3A_379 = tpu.matmul %convert_element_type3A_39, %slice3A_377, %dot_general3A_378 {dimension_numbers = #tpu.dot_dimension_numbers<[1], [0], [0], [1], [0, 0, 1, 1], [], []>, precision = #tpu.contract_precision<fp32>, transpose_lhs_hint = false} : vector<128x128xf32>, vector<128x64xf32>, vector<128x64xf32> -> vector<128x64xf32>
    %add3A_380 = vector.broadcast %add3A_376 : vector<1x64xf32> to vector<128x64xf32>
    %add3A_381 = arith.addf %dot_general3A_379, %add3A_380 : vector<128x64xf32>
    %sub3A_382 = arith.constant 1.000000e+00 : f32
    %sub3A_383 = vector.broadcast %sub3A_382 : f32 to vector<128x64xf32>
    %sub3A_384 = arith.subf %add3A_381, %sub3A_383 : vector<128x64xf32>
    %add3A_385 = vector.broadcast %mul3A_35 : vector<1x64xf32> to vector<128x64xf32>
    %add3A_386 = arith.addf %sub3A_384, %add3A_385 : vector<128x64xf32>
    %mul3A_387 = arith.mulf %slice3A_377, %add3A_386 : vector<128x64xf32>
    %dot_general3A_388 = arith.constant dense<0.000000e+00> : vector<128x1xf32>
    %dot_general3A_389 = tpu.matmul %mul3A_387, %broadcast_in_dim3A_41, %dot_general3A_388 {dimension_numbers = #tpu.dot_dimension_numbers<[1], [0], [0], [1], [0, 0, 1, 1], [], []>, precision = #tpu.contract_precision<fp32>, transpose_lhs_hint = false} : vector<128x64xf32>, vector<64x1xf32>, vector<128x1xf32> -> vector<128x1xf32>
    %convert_element_type3A_390 = arith.fptosi %dot_general3A_389 : vector<128x1xf32> to vector<128x1xi32>
    %swap3A_391 = arith.constant 2048 : index
    %swap3A_392 = arith.constant 0 : index
    %swap3A_393 = vector.load %arg2[%swap3A_391, %swap3A_392] : memref<4096x1xi32, #tpu.memory_space<vmem>>, vector<128x1xi32>
    tpu.vector_store %arg2[%swap3A_391, %swap3A_392], %convert_element_type3A_390 {strides = array<i32>} : memref<4096x1xi32, #tpu.memory_space<vmem>>, vector<128x1xi32>,
    %reduce_sum3A_394 = arith.constant dense<0.000000e+00> : vector<64xf32>
    %reduce_sum3A_395 = vector.multi_reduction <add>, %slice3A_377, %reduce_sum3A_394 [0] : vector<128x64xf32> to vector<64xf32>
    %broadcast_in_dim3A_396 = vector.shape_cast %reduce_sum3A_395 : vector<64xf32> to vector<1x64xf32>
    %add3A_397 = arith.addf %add3A_376, %broadcast_in_dim3A_396 : vector<1x64xf32>
    %slice3A_398 = vector.extract_strided_slice %convert_element_type3A_13 {offsets = [2176, 0], sizes = [128, 64], strides = [1, 1]} : vector<4096x64xf32> to vector<128x64xf32>
    %dot_general3A_399 = arith.constant dense<0.000000e+00> : vector<128x64xf32>
    %dot_general3A_400 = tpu.matmul %convert_element_type3A_39, %slice3A_398, %dot_general3A_399 {dimension_numbers = #tpu.dot_dimension_numbers<[1], [0], [0], [1], [0, 0, 1, 1], [], []>, precision = #tpu.contract_precision<fp32>, transpose_lhs_hint = false} : vector<128x128xf32>, vector<128x64xf32>, vector<128x64xf32> -> vector<128x64xf32>
    %add3A_401 = vector.broadcast %add3A_397 : vector<1x64xf32> to vector<128x64xf32>
    %add3A_402 = arith.addf %dot_general3A_400, %add3A_401 : vector<128x64xf32>
    %sub3A_403 = arith.constant 1.000000e+00 : f32
    %sub3A_404 = vector.broadcast %sub3A_403 : f32 to vector<128x64xf32>
    %sub3A_405 = arith.subf %add3A_402, %sub3A_404 : vector<128x64xf32>
    %add3A_406 = vector.broadcast %mul3A_35 : vector<1x64xf32> to vector<128x64xf32>
    %add3A_407 = arith.addf %sub3A_405, %add3A_406 : vector<128x64xf32>
    %mul3A_408 = arith.mulf %slice3A_398, %add3A_407 : vector<128x64xf32>
    %dot_general3A_409 = arith.constant dense<0.000000e+00> : vector<128x1xf32>
    %dot_general3A_410 = tpu.matmul %mul3A_408, %broadcast_in_dim3A_41, %dot_general3A_409 {dimension_numbers = #tpu.dot_dimension_numbers<[1], [0], [0], [1], [0, 0, 1, 1], [], []>, precision = #tpu.contract_precision<fp32>, transpose_lhs_hint = false} : vector<128x64xf32>, vector<64x1xf32>, vector<128x1xf32> -> vector<128x1xf32>
    %convert_element_type3A_411 = arith.fptosi %dot_general3A_410 : vector<128x1xf32> to vector<128x1xi32>
    %swap3A_412 = arith.constant 2176 : index
    %swap3A_413 = arith.constant 0 : index
    %swap3A_414 = vector.load %arg2[%swap3A_412, %swap3A_413] : memref<4096x1xi32, #tpu.memory_space<vmem>>, vector<128x1xi32>
    tpu.vector_store %arg2[%swap3A_412, %swap3A_413], %convert_element_type3A_411 {strides = array<i32>} : memref<4096x1xi32, #tpu.memory_space<vmem>>, vector<128x1xi32>,
    %reduce_sum3A_415 = arith.constant dense<0.000000e+00> : vector<64xf32>
    %reduce_sum3A_416 = vector.multi_reduction <add>, %slice3A_398, %reduce_sum3A_415 [0] : vector<128x64xf32> to vector<64xf32>
    %broadcast_in_dim3A_417 = vector.shape_cast %reduce_sum3A_416 : vector<64xf32> to vector<1x64xf32>
    %add3A_418 = arith.addf %add3A_397, %broadcast_in_dim3A_417 : vector<1x64xf32>
    %slice3A_419 = vector.extract_strided_slice %convert_element_type3A_13 {offsets = [2304, 0], sizes = [128, 64], strides = [1, 1]} : vector<4096x64xf32> to vector<128x64xf32>
    %dot_general3A_420 = arith.constant dense<0.000000e+00> : vector<128x64xf32>
    %dot_general3A_421 = tpu.matmul %convert_element_type3A_39, %slice3A_419, %dot_general3A_420 {dimension_numbers = #tpu.dot_dimension_numbers<[1], [0], [0], [1], [0, 0, 1, 1], [], []>, precision = #tpu.contract_precision<fp32>, transpose_lhs_hint = false} : vector<128x128xf32>, vector<128x64xf32>, vector<128x64xf32> -> vector<128x64xf32>
    %add3A_422 = vector.broadcast %add3A_418 : vector<1x64xf32> to vector<128x64xf32>
    %add3A_423 = arith.addf %dot_general3A_421, %add3A_422 : vector<128x64xf32>
    %sub3A_424 = arith.constant 1.000000e+00 : f32
    %sub3A_425 = vector.broadcast %sub3A_424 : f32 to vector<128x64xf32>
    %sub3A_426 = arith.subf %add3A_423, %sub3A_425 : vector<128x64xf32>
    %add3A_427 = vector.broadcast %mul3A_35 : vector<1x64xf32> to vector<128x64xf32>
    %add3A_428 = arith.addf %sub3A_426, %add3A_427 : vector<128x64xf32>
    %mul3A_429 = arith.mulf %slice3A_419, %add3A_428 : vector<128x64xf32>
    %dot_general3A_430 = arith.constant dense<0.000000e+00> : vector<128x1xf32>
    %dot_general3A_431 = tpu.matmul %mul3A_429, %broadcast_in_dim3A_41, %dot_general3A_430 {dimension_numbers = #tpu.dot_dimension_numbers<[1], [0], [0], [1], [0, 0, 1, 1], [], []>, precision = #tpu.contract_precision<fp32>, transpose_lhs_hint = false} : vector<128x64xf32>, vector<64x1xf32>, vector<128x1xf32> -> vector<128x1xf32>
    %convert_element_type3A_432 = arith.fptosi %dot_general3A_431 : vector<128x1xf32> to vector<128x1xi32>
    %swap3A_433 = arith.constant 2304 : index
    %swap3A_434 = arith.constant 0 : index
    %swap3A_435 = vector.load %arg2[%swap3A_433, %swap3A_434] : memref<4096x1xi32, #tpu.memory_space<vmem>>, vector<128x1xi32>
    tpu.vector_store %arg2[%swap3A_433, %swap3A_434], %convert_element_type3A_432 {strides = array<i32>} : memref<4096x1xi32, #tpu.memory_space<vmem>>, vector<128x1xi32>,
    %reduce_sum3A_436 = arith.constant dense<0.000000e+00> : vector<64xf32>
    %reduce_sum3A_437 = vector.multi_reduction <add>, %slice3A_419, %reduce_sum3A_436 [0] : vector<128x64xf32> to vector<64xf32>
    %broadcast_in_dim3A_438 = vector.shape_cast %reduce_sum3A_437 : vector<64xf32> to vector<1x64xf32>
    %add3A_439 = arith.addf %add3A_418, %broadcast_in_dim3A_438 : vector<1x64xf32>
    %slice3A_440 = vector.extract_strided_slice %convert_element_type3A_13 {offsets = [2432, 0], sizes = [128, 64], strides = [1, 1]} : vector<4096x64xf32> to vector<128x64xf32>
    %dot_general3A_441 = arith.constant dense<0.000000e+00> : vector<128x64xf32>
    %dot_general3A_442 = tpu.matmul %convert_element_type3A_39, %slice3A_440, %dot_general3A_441 {dimension_numbers = #tpu.dot_dimension_numbers<[1], [0], [0], [1], [0, 0, 1, 1], [], []>, precision = #tpu.contract_precision<fp32>, transpose_lhs_hint = false} : vector<128x128xf32>, vector<128x64xf32>, vector<128x64xf32> -> vector<128x64xf32>
    %add3A_443 = vector.broadcast %add3A_439 : vector<1x64xf32> to vector<128x64xf32>
    %add3A_444 = arith.addf %dot_general3A_442, %add3A_443 : vector<128x64xf32>
    %sub3A_445 = arith.constant 1.000000e+00 : f32
    %sub3A_446 = vector.broadcast %sub3A_445 : f32 to vector<128x64xf32>
    %sub3A_447 = arith.subf %add3A_444, %sub3A_446 : vector<128x64xf32>
    %add3A_448 = vector.broadcast %mul3A_35 : vector<1x64xf32> to vector<128x64xf32>
    %add3A_449 = arith.addf %sub3A_447, %add3A_448 : vector<128x64xf32>
    %mul3A_450 = arith.mulf %slice3A_440, %add3A_449 : vector<128x64xf32>
    %dot_general3A_451 = arith.constant dense<0.000000e+00> : vector<128x1xf32>
    %dot_general3A_452 = tpu.matmul %mul3A_450, %broadcast_in_dim3A_41, %dot_general3A_451 {dimension_numbers = #tpu.dot_dimension_numbers<[1], [0], [0], [1], [0, 0, 1, 1], [], []>, precision = #tpu.contract_precision<fp32>, transpose_lhs_hint = false} : vector<128x64xf32>, vector<64x1xf32>, vector<128x1xf32> -> vector<128x1xf32>
    %convert_element_type3A_453 = arith.fptosi %dot_general3A_452 : vector<128x1xf32> to vector<128x1xi32>
    %swap3A_454 = arith.constant 2432 : index
    %swap3A_455 = arith.constant 0 : index
    %swap3A_456 = vector.load %arg2[%swap3A_454, %swap3A_455] : memref<4096x1xi32, #tpu.memory_space<vmem>>, vector<128x1xi32>
    tpu.vector_store %arg2[%swap3A_454, %swap3A_455], %convert_element_type3A_453 {strides = array<i32>} : memref<4096x1xi32, #tpu.memory_space<vmem>>, vector<128x1xi32>,
    %reduce_sum3A_457 = arith.constant dense<0.000000e+00> : vector<64xf32>
    %reduce_sum3A_458 = vector.multi_reduction <add>, %slice3A_440, %reduce_sum3A_457 [0] : vector<128x64xf32> to vector<64xf32>
    %broadcast_in_dim3A_459 = vector.shape_cast %reduce_sum3A_458 : vector<64xf32> to vector<1x64xf32>
    %add3A_460 = arith.addf %add3A_439, %broadcast_in_dim3A_459 : vector<1x64xf32>
    %slice3A_461 = vector.extract_strided_slice %convert_element_type3A_13 {offsets = [2560, 0], sizes = [128, 64], strides = [1, 1]} : vector<4096x64xf32> to vector<128x64xf32>
    %dot_general3A_462 = arith.constant dense<0.000000e+00> : vector<128x64xf32>
    %dot_general3A_463 = tpu.matmul %convert_element_type3A_39, %slice3A_461, %dot_general3A_462 {dimension_numbers = #tpu.dot_dimension_numbers<[1], [0], [0], [1], [0, 0, 1, 1], [], []>, precision = #tpu.contract_precision<fp32>, transpose_lhs_hint = false} : vector<128x128xf32>, vector<128x64xf32>, vector<128x64xf32> -> vector<128x64xf32>
    %add3A_464 = vector.broadcast %add3A_460 : vector<1x64xf32> to vector<128x64xf32>
    %add3A_465 = arith.addf %dot_general3A_463, %add3A_464 : vector<128x64xf32>
    %sub3A_466 = arith.constant 1.000000e+00 : f32
    %sub3A_467 = vector.broadcast %sub3A_466 : f32 to vector<128x64xf32>
    %sub3A_468 = arith.subf %add3A_465, %sub3A_467 : vector<128x64xf32>
    %add3A_469 = vector.broadcast %mul3A_35 : vector<1x64xf32> to vector<128x64xf32>
    %add3A_470 = arith.addf %sub3A_468, %add3A_469 : vector<128x64xf32>
    %mul3A_471 = arith.mulf %slice3A_461, %add3A_470 : vector<128x64xf32>
    %dot_general3A_472 = arith.constant dense<0.000000e+00> : vector<128x1xf32>
    %dot_general3A_473 = tpu.matmul %mul3A_471, %broadcast_in_dim3A_41, %dot_general3A_472 {dimension_numbers = #tpu.dot_dimension_numbers<[1], [0], [0], [1], [0, 0, 1, 1], [], []>, precision = #tpu.contract_precision<fp32>, transpose_lhs_hint = false} : vector<128x64xf32>, vector<64x1xf32>, vector<128x1xf32> -> vector<128x1xf32>
    %convert_element_type3A_474 = arith.fptosi %dot_general3A_473 : vector<128x1xf32> to vector<128x1xi32>
    %swap3A_475 = arith.constant 2560 : index
    %swap3A_476 = arith.constant 0 : index
    %swap3A_477 = vector.load %arg2[%swap3A_475, %swap3A_476] : memref<4096x1xi32, #tpu.memory_space<vmem>>, vector<128x1xi32>
    tpu.vector_store %arg2[%swap3A_475, %swap3A_476], %convert_element_type3A_474 {strides = array<i32>} : memref<4096x1xi32, #tpu.memory_space<vmem>>, vector<128x1xi32>,
    %reduce_sum3A_478 = arith.constant dense<0.000000e+00> : vector<64xf32>
    %reduce_sum3A_479 = vector.multi_reduction <add>, %slice3A_461, %reduce_sum3A_478 [0] : vector<128x64xf32> to vector<64xf32>
    %broadcast_in_dim3A_480 = vector.shape_cast %reduce_sum3A_479 : vector<64xf32> to vector<1x64xf32>
    %add3A_481 = arith.addf %add3A_460, %broadcast_in_dim3A_480 : vector<1x64xf32>
    %slice3A_482 = vector.extract_strided_slice %convert_element_type3A_13 {offsets = [2688, 0], sizes = [128, 64], strides = [1, 1]} : vector<4096x64xf32> to vector<128x64xf32>
    %dot_general3A_483 = arith.constant dense<0.000000e+00> : vector<128x64xf32>
    %dot_general3A_484 = tpu.matmul %convert_element_type3A_39, %slice3A_482, %dot_general3A_483 {dimension_numbers = #tpu.dot_dimension_numbers<[1], [0], [0], [1], [0, 0, 1, 1], [], []>, precision = #tpu.contract_precision<fp32>, transpose_lhs_hint = false} : vector<128x128xf32>, vector<128x64xf32>, vector<128x64xf32> -> vector<128x64xf32>
    %add3A_485 = vector.broadcast %add3A_481 : vector<1x64xf32> to vector<128x64xf32>
    %add3A_486 = arith.addf %dot_general3A_484, %add3A_485 : vector<128x64xf32>
    %sub3A_487 = arith.constant 1.000000e+00 : f32
    %sub3A_488 = vector.broadcast %sub3A_487 : f32 to vector<128x64xf32>
    %sub3A_489 = arith.subf %add3A_486, %sub3A_488 : vector<128x64xf32>
    %add3A_490 = vector.broadcast %mul3A_35 : vector<1x64xf32> to vector<128x64xf32>
    %add3A_491 = arith.addf %sub3A_489, %add3A_490 : vector<128x64xf32>
    %mul3A_492 = arith.mulf %slice3A_482, %add3A_491 : vector<128x64xf32>
    %dot_general3A_493 = arith.constant dense<0.000000e+00> : vector<128x1xf32>
    %dot_general3A_494 = tpu.matmul %mul3A_492, %broadcast_in_dim3A_41, %dot_general3A_493 {dimension_numbers = #tpu.dot_dimension_numbers<[1], [0], [0], [1], [0, 0, 1, 1], [], []>, precision = #tpu.contract_precision<fp32>, transpose_lhs_hint = false} : vector<128x64xf32>, vector<64x1xf32>, vector<128x1xf32> -> vector<128x1xf32>
    %convert_element_type3A_495 = arith.fptosi %dot_general3A_494 : vector<128x1xf32> to vector<128x1xi32>
    %swap3A_496 = arith.constant 2688 : index
    %swap3A_497 = arith.constant 0 : index
    %swap3A_498 = vector.load %arg2[%swap3A_496, %swap3A_497] : memref<4096x1xi32, #tpu.memory_space<vmem>>, vector<128x1xi32>
    tpu.vector_store %arg2[%swap3A_496, %swap3A_497], %convert_element_type3A_495 {strides = array<i32>} : memref<4096x1xi32, #tpu.memory_space<vmem>>, vector<128x1xi32>,
    %reduce_sum3A_499 = arith.constant dense<0.000000e+00> : vector<64xf32>
    %reduce_sum3A_500 = vector.multi_reduction <add>, %slice3A_482, %reduce_sum3A_499 [0] : vector<128x64xf32> to vector<64xf32>
    %broadcast_in_dim3A_501 = vector.shape_cast %reduce_sum3A_500 : vector<64xf32> to vector<1x64xf32>
    %add3A_502 = arith.addf %add3A_481, %broadcast_in_dim3A_501 : vector<1x64xf32>
    %slice3A_503 = vector.extract_strided_slice %convert_element_type3A_13 {offsets = [2816, 0], sizes = [128, 64], strides = [1, 1]} : vector<4096x64xf32> to vector<128x64xf32>
    %dot_general3A_504 = arith.constant dense<0.000000e+00> : vector<128x64xf32>
    %dot_general3A_505 = tpu.matmul %convert_element_type3A_39, %slice3A_503, %dot_general3A_504 {dimension_numbers = #tpu.dot_dimension_numbers<[1], [0], [0], [1], [0, 0, 1, 1], [], []>, precision = #tpu.contract_precision<fp32>, transpose_lhs_hint = false} : vector<128x128xf32>, vector<128x64xf32>, vector<128x64xf32> -> vector<128x64xf32>
    %add3A_506 = vector.broadcast %add3A_502 : vector<1x64xf32> to vector<128x64xf32>
    %add3A_507 = arith.addf %dot_general3A_505, %add3A_506 : vector<128x64xf32>
    %sub3A_508 = arith.constant 1.000000e+00 : f32
    %sub3A_509 = vector.broadcast %sub3A_508 : f32 to vector<128x64xf32>
    %sub3A_510 = arith.subf %add3A_507, %sub3A_509 : vector<128x64xf32>
    %add3A_511 = vector.broadcast %mul3A_35 : vector<1x64xf32> to vector<128x64xf32>
    %add3A_512 = arith.addf %sub3A_510, %add3A_511 : vector<128x64xf32>
    %mul3A_513 = arith.mulf %slice3A_503, %add3A_512 : vector<128x64xf32>
    %dot_general3A_514 = arith.constant dense<0.000000e+00> : vector<128x1xf32>
    %dot_general3A_515 = tpu.matmul %mul3A_513, %broadcast_in_dim3A_41, %dot_general3A_514 {dimension_numbers = #tpu.dot_dimension_numbers<[1], [0], [0], [1], [0, 0, 1, 1], [], []>, precision = #tpu.contract_precision<fp32>, transpose_lhs_hint = false} : vector<128x64xf32>, vector<64x1xf32>, vector<128x1xf32> -> vector<128x1xf32>
    %convert_element_type3A_516 = arith.fptosi %dot_general3A_515 : vector<128x1xf32> to vector<128x1xi32>
    %swap3A_517 = arith.constant 2816 : index
    %swap3A_518 = arith.constant 0 : index
    %swap3A_519 = vector.load %arg2[%swap3A_517, %swap3A_518] : memref<4096x1xi32, #tpu.memory_space<vmem>>, vector<128x1xi32>
    tpu.vector_store %arg2[%swap3A_517, %swap3A_518], %convert_element_type3A_516 {strides = array<i32>} : memref<4096x1xi32, #tpu.memory_space<vmem>>, vector<128x1xi32>,
    %reduce_sum3A_520 = arith.constant dense<0.000000e+00> : vector<64xf32>
    %reduce_sum3A_521 = vector.multi_reduction <add>, %slice3A_503, %reduce_sum3A_520 [0] : vector<128x64xf32> to vector<64xf32>
    %broadcast_in_dim3A_522 = vector.shape_cast %reduce_sum3A_521 : vector<64xf32> to vector<1x64xf32>
    %add3A_523 = arith.addf %add3A_502, %broadcast_in_dim3A_522 : vector<1x64xf32>
    %slice3A_524 = vector.extract_strided_slice %convert_element_type3A_13 {offsets = [2944, 0], sizes = [128, 64], strides = [1, 1]} : vector<4096x64xf32> to vector<128x64xf32>
    %dot_general3A_525 = arith.constant dense<0.000000e+00> : vector<128x64xf32>
    %dot_general3A_526 = tpu.matmul %convert_element_type3A_39, %slice3A_524, %dot_general3A_525 {dimension_numbers = #tpu.dot_dimension_numbers<[1], [0], [0], [1], [0, 0, 1, 1], [], []>, precision = #tpu.contract_precision<fp32>, transpose_lhs_hint = false} : vector<128x128xf32>, vector<128x64xf32>, vector<128x64xf32> -> vector<128x64xf32>
    %add3A_527 = vector.broadcast %add3A_523 : vector<1x64xf32> to vector<128x64xf32>
    %add3A_528 = arith.addf %dot_general3A_526, %add3A_527 : vector<128x64xf32>
    %sub3A_529 = arith.constant 1.000000e+00 : f32
    %sub3A_530 = vector.broadcast %sub3A_529 : f32 to vector<128x64xf32>
    %sub3A_531 = arith.subf %add3A_528, %sub3A_530 : vector<128x64xf32>
    %add3A_532 = vector.broadcast %mul3A_35 : vector<1x64xf32> to vector<128x64xf32>
    %add3A_533 = arith.addf %sub3A_531, %add3A_532 : vector<128x64xf32>
    %mul3A_534 = arith.mulf %slice3A_524, %add3A_533 : vector<128x64xf32>
    %dot_general3A_535 = arith.constant dense<0.000000e+00> : vector<128x1xf32>
    %dot_general3A_536 = tpu.matmul %mul3A_534, %broadcast_in_dim3A_41, %dot_general3A_535 {dimension_numbers = #tpu.dot_dimension_numbers<[1], [0], [0], [1], [0, 0, 1, 1], [], []>, precision = #tpu.contract_precision<fp32>, transpose_lhs_hint = false} : vector<128x64xf32>, vector<64x1xf32>, vector<128x1xf32> -> vector<128x1xf32>
    %convert_element_type3A_537 = arith.fptosi %dot_general3A_536 : vector<128x1xf32> to vector<128x1xi32>
    %swap3A_538 = arith.constant 2944 : index
    %swap3A_539 = arith.constant 0 : index
    %swap3A_540 = vector.load %arg2[%swap3A_538, %swap3A_539] : memref<4096x1xi32, #tpu.memory_space<vmem>>, vector<128x1xi32>
    tpu.vector_store %arg2[%swap3A_538, %swap3A_539], %convert_element_type3A_537 {strides = array<i32>} : memref<4096x1xi32, #tpu.memory_space<vmem>>, vector<128x1xi32>,
    %reduce_sum3A_541 = arith.constant dense<0.000000e+00> : vector<64xf32>
    %reduce_sum3A_542 = vector.multi_reduction <add>, %slice3A_524, %reduce_sum3A_541 [0] : vector<128x64xf32> to vector<64xf32>
    %broadcast_in_dim3A_543 = vector.shape_cast %reduce_sum3A_542 : vector<64xf32> to vector<1x64xf32>
    %add3A_544 = arith.addf %add3A_523, %broadcast_in_dim3A_543 : vector<1x64xf32>
    %slice3A_545 = vector.extract_strided_slice %convert_element_type3A_13 {offsets = [3072, 0], sizes = [128, 64], strides = [1, 1]} : vector<4096x64xf32> to vector<128x64xf32>
    %dot_general3A_546 = arith.constant dense<0.000000e+00> : vector<128x64xf32>
    %dot_general3A_547 = tpu.matmul %convert_element_type3A_39, %slice3A_545, %dot_general3A_546 {dimension_numbers = #tpu.dot_dimension_numbers<[1], [0], [0], [1], [0, 0, 1, 1], [], []>, precision = #tpu.contract_precision<fp32>, transpose_lhs_hint = false} : vector<128x128xf32>, vector<128x64xf32>, vector<128x64xf32> -> vector<128x64xf32>
    %add3A_548 = vector.broadcast %add3A_544 : vector<1x64xf32> to vector<128x64xf32>
    %add3A_549 = arith.addf %dot_general3A_547, %add3A_548 : vector<128x64xf32>
    %sub3A_550 = arith.constant 1.000000e+00 : f32
    %sub3A_551 = vector.broadcast %sub3A_550 : f32 to vector<128x64xf32>
    %sub3A_552 = arith.subf %add3A_549, %sub3A_551 : vector<128x64xf32>
    %add3A_553 = vector.broadcast %mul3A_35 : vector<1x64xf32> to vector<128x64xf32>
    %add3A_554 = arith.addf %sub3A_552, %add3A_553 : vector<128x64xf32>
    %mul3A_555 = arith.mulf %slice3A_545, %add3A_554 : vector<128x64xf32>
    %dot_general3A_556 = arith.constant dense<0.000000e+00> : vector<128x1xf32>
    %dot_general3A_557 = tpu.matmul %mul3A_555, %broadcast_in_dim3A_41, %dot_general3A_556 {dimension_numbers = #tpu.dot_dimension_numbers<[1], [0], [0], [1], [0, 0, 1, 1], [], []>, precision = #tpu.contract_precision<fp32>, transpose_lhs_hint = false} : vector<128x64xf32>, vector<64x1xf32>, vector<128x1xf32> -> vector<128x1xf32>
    %convert_element_type3A_558 = arith.fptosi %dot_general3A_557 : vector<128x1xf32> to vector<128x1xi32>
    %swap3A_559 = arith.constant 3072 : index
    %swap3A_560 = arith.constant 0 : index
    %swap3A_561 = vector.load %arg2[%swap3A_559, %swap3A_560] : memref<4096x1xi32, #tpu.memory_space<vmem>>, vector<128x1xi32>
    tpu.vector_store %arg2[%swap3A_559, %swap3A_560], %convert_element_type3A_558 {strides = array<i32>} : memref<4096x1xi32, #tpu.memory_space<vmem>>, vector<128x1xi32>,
    %reduce_sum3A_562 = arith.constant dense<0.000000e+00> : vector<64xf32>
    %reduce_sum3A_563 = vector.multi_reduction <add>, %slice3A_545, %reduce_sum3A_562 [0] : vector<128x64xf32> to vector<64xf32>
    %broadcast_in_dim3A_564 = vector.shape_cast %reduce_sum3A_563 : vector<64xf32> to vector<1x64xf32>
    %add3A_565 = arith.addf %add3A_544, %broadcast_in_dim3A_564 : vector<1x64xf32>
    %slice3A_566 = vector.extract_strided_slice %convert_element_type3A_13 {offsets = [3200, 0], sizes = [128, 64], strides = [1, 1]} : vector<4096x64xf32> to vector<128x64xf32>
    %dot_general3A_567 = arith.constant dense<0.000000e+00> : vector<128x64xf32>
    %dot_general3A_568 = tpu.matmul %convert_element_type3A_39, %slice3A_566, %dot_general3A_567 {dimension_numbers = #tpu.dot_dimension_numbers<[1], [0], [0], [1], [0, 0, 1, 1], [], []>, precision = #tpu.contract_precision<fp32>, transpose_lhs_hint = false} : vector<128x128xf32>, vector<128x64xf32>, vector<128x64xf32> -> vector<128x64xf32>
    %add3A_569 = vector.broadcast %add3A_565 : vector<1x64xf32> to vector<128x64xf32>
    %add3A_570 = arith.addf %dot_general3A_568, %add3A_569 : vector<128x64xf32>
    %sub3A_571 = arith.constant 1.000000e+00 : f32
    %sub3A_572 = vector.broadcast %sub3A_571 : f32 to vector<128x64xf32>
    %sub3A_573 = arith.subf %add3A_570, %sub3A_572 : vector<128x64xf32>
    %add3A_574 = vector.broadcast %mul3A_35 : vector<1x64xf32> to vector<128x64xf32>
    %add3A_575 = arith.addf %sub3A_573, %add3A_574 : vector<128x64xf32>
    %mul3A_576 = arith.mulf %slice3A_566, %add3A_575 : vector<128x64xf32>
    %dot_general3A_577 = arith.constant dense<0.000000e+00> : vector<128x1xf32>
    %dot_general3A_578 = tpu.matmul %mul3A_576, %broadcast_in_dim3A_41, %dot_general3A_577 {dimension_numbers = #tpu.dot_dimension_numbers<[1], [0], [0], [1], [0, 0, 1, 1], [], []>, precision = #tpu.contract_precision<fp32>, transpose_lhs_hint = false} : vector<128x64xf32>, vector<64x1xf32>, vector<128x1xf32> -> vector<128x1xf32>
    %convert_element_type3A_579 = arith.fptosi %dot_general3A_578 : vector<128x1xf32> to vector<128x1xi32>
    %swap3A_580 = arith.constant 3200 : index
    %swap3A_581 = arith.constant 0 : index
    %swap3A_582 = vector.load %arg2[%swap3A_580, %swap3A_581] : memref<4096x1xi32, #tpu.memory_space<vmem>>, vector<128x1xi32>
    tpu.vector_store %arg2[%swap3A_580, %swap3A_581], %convert_element_type3A_579 {strides = array<i32>} : memref<4096x1xi32, #tpu.memory_space<vmem>>, vector<128x1xi32>,
    %reduce_sum3A_583 = arith.constant dense<0.000000e+00> : vector<64xf32>
    %reduce_sum3A_584 = vector.multi_reduction <add>, %slice3A_566, %reduce_sum3A_583 [0] : vector<128x64xf32> to vector<64xf32>
    %broadcast_in_dim3A_585 = vector.shape_cast %reduce_sum3A_584 : vector<64xf32> to vector<1x64xf32>
    %add3A_586 = arith.addf %add3A_565, %broadcast_in_dim3A_585 : vector<1x64xf32>
    %slice3A_587 = vector.extract_strided_slice %convert_element_type3A_13 {offsets = [3328, 0], sizes = [128, 64], strides = [1, 1]} : vector<4096x64xf32> to vector<128x64xf32>
    %dot_general3A_588 = arith.constant dense<0.000000e+00> : vector<128x64xf32>
    %dot_general3A_589 = tpu.matmul %convert_element_type3A_39, %slice3A_587, %dot_general3A_588 {dimension_numbers = #tpu.dot_dimension_numbers<[1], [0], [0], [1], [0, 0, 1, 1], [], []>, precision = #tpu.contract_precision<fp32>, transpose_lhs_hint = false} : vector<128x128xf32>, vector<128x64xf32>, vector<128x64xf32> -> vector<128x64xf32>
    %add3A_590 = vector.broadcast %add3A_586 : vector<1x64xf32> to vector<128x64xf32>
    %add3A_591 = arith.addf %dot_general3A_589, %add3A_590 : vector<128x64xf32>
    %sub3A_592 = arith.constant 1.000000e+00 : f32
    %sub3A_593 = vector.broadcast %sub3A_592 : f32 to vector<128x64xf32>
    %sub3A_594 = arith.subf %add3A_591, %sub3A_593 : vector<128x64xf32>
    %add3A_595 = vector.broadcast %mul3A_35 : vector<1x64xf32> to vector<128x64xf32>
    %add3A_596 = arith.addf %sub3A_594, %add3A_595 : vector<128x64xf32>
    %mul3A_597 = arith.mulf %slice3A_587, %add3A_596 : vector<128x64xf32>
    %dot_general3A_598 = arith.constant dense<0.000000e+00> : vector<128x1xf32>
    %dot_general3A_599 = tpu.matmul %mul3A_597, %broadcast_in_dim3A_41, %dot_general3A_598 {dimension_numbers = #tpu.dot_dimension_numbers<[1], [0], [0], [1], [0, 0, 1, 1], [], []>, precision = #tpu.contract_precision<fp32>, transpose_lhs_hint = false} : vector<128x64xf32>, vector<64x1xf32>, vector<128x1xf32> -> vector<128x1xf32>
    %convert_element_type3A_600 = arith.fptosi %dot_general3A_599 : vector<128x1xf32> to vector<128x1xi32>
    %swap3A_601 = arith.constant 3328 : index
    %swap3A_602 = arith.constant 0 : index
    %swap3A_603 = vector.load %arg2[%swap3A_601, %swap3A_602] : memref<4096x1xi32, #tpu.memory_space<vmem>>, vector<128x1xi32>
    tpu.vector_store %arg2[%swap3A_601, %swap3A_602], %convert_element_type3A_600 {strides = array<i32>} : memref<4096x1xi32, #tpu.memory_space<vmem>>, vector<128x1xi32>,
    %reduce_sum3A_604 = arith.constant dense<0.000000e+00> : vector<64xf32>
    %reduce_sum3A_605 = vector.multi_reduction <add>, %slice3A_587, %reduce_sum3A_604 [0] : vector<128x64xf32> to vector<64xf32>
    %broadcast_in_dim3A_606 = vector.shape_cast %reduce_sum3A_605 : vector<64xf32> to vector<1x64xf32>
    %add3A_607 = arith.addf %add3A_586, %broadcast_in_dim3A_606 : vector<1x64xf32>
    %slice3A_608 = vector.extract_strided_slice %convert_element_type3A_13 {offsets = [3456, 0], sizes = [128, 64], strides = [1, 1]} : vector<4096x64xf32> to vector<128x64xf32>
    %dot_general3A_609 = arith.constant dense<0.000000e+00> : vector<128x64xf32>
    %dot_general3A_610 = tpu.matmul %convert_element_type3A_39, %slice3A_608, %dot_general3A_609 {dimension_numbers = #tpu.dot_dimension_numbers<[1], [0], [0], [1], [0, 0, 1, 1], [], []>, precision = #tpu.contract_precision<fp32>, transpose_lhs_hint = false} : vector<128x128xf32>, vector<128x64xf32>, vector<128x64xf32> -> vector<128x64xf32>
    %add3A_611 = vector.broadcast %add3A_607 : vector<1x64xf32> to vector<128x64xf32>
    %add3A_612 = arith.addf %dot_general3A_610, %add3A_611 : vector<128x64xf32>
    %sub3A_613 = arith.constant 1.000000e+00 : f32
    %sub3A_614 = vector.broadcast %sub3A_613 : f32 to vector<128x64xf32>
    %sub3A_615 = arith.subf %add3A_612, %sub3A_614 : vector<128x64xf32>
    %add3A_616 = vector.broadcast %mul3A_35 : vector<1x64xf32> to vector<128x64xf32>
    %add3A_617 = arith.addf %sub3A_615, %add3A_616 : vector<128x64xf32>
    %mul3A_618 = arith.mulf %slice3A_608, %add3A_617 : vector<128x64xf32>
    %dot_general3A_619 = arith.constant dense<0.000000e+00> : vector<128x1xf32>
    %dot_general3A_620 = tpu.matmul %mul3A_618, %broadcast_in_dim3A_41, %dot_general3A_619 {dimension_numbers = #tpu.dot_dimension_numbers<[1], [0], [0], [1], [0, 0, 1, 1], [], []>, precision = #tpu.contract_precision<fp32>, transpose_lhs_hint = false} : vector<128x64xf32>, vector<64x1xf32>, vector<128x1xf32> -> vector<128x1xf32>
    %convert_element_type3A_621 = arith.fptosi %dot_general3A_620 : vector<128x1xf32> to vector<128x1xi32>
    %swap3A_622 = arith.constant 3456 : index
    %swap3A_623 = arith.constant 0 : index
    %swap3A_624 = vector.load %arg2[%swap3A_622, %swap3A_623] : memref<4096x1xi32, #tpu.memory_space<vmem>>, vector<128x1xi32>
    tpu.vector_store %arg2[%swap3A_622, %swap3A_623], %convert_element_type3A_621 {strides = array<i32>} : memref<4096x1xi32, #tpu.memory_space<vmem>>, vector<128x1xi32>,
    %reduce_sum3A_625 = arith.constant dense<0.000000e+00> : vector<64xf32>
    %reduce_sum3A_626 = vector.multi_reduction <add>, %slice3A_608, %reduce_sum3A_625 [0] : vector<128x64xf32> to vector<64xf32>
    %broadcast_in_dim3A_627 = vector.shape_cast %reduce_sum3A_626 : vector<64xf32> to vector<1x64xf32>
    %add3A_628 = arith.addf %add3A_607, %broadcast_in_dim3A_627 : vector<1x64xf32>
    %slice3A_629 = vector.extract_strided_slice %convert_element_type3A_13 {offsets = [3584, 0], sizes = [128, 64], strides = [1, 1]} : vector<4096x64xf32> to vector<128x64xf32>
    %dot_general3A_630 = arith.constant dense<0.000000e+00> : vector<128x64xf32>
    %dot_general3A_631 = tpu.matmul %convert_element_type3A_39, %slice3A_629, %dot_general3A_630 {dimension_numbers = #tpu.dot_dimension_numbers<[1], [0], [0], [1], [0, 0, 1, 1], [], []>, precision = #tpu.contract_precision<fp32>, transpose_lhs_hint = false} : vector<128x128xf32>, vector<128x64xf32>, vector<128x64xf32> -> vector<128x64xf32>
    %add3A_632 = vector.broadcast %add3A_628 : vector<1x64xf32> to vector<128x64xf32>
    %add3A_633 = arith.addf %dot_general3A_631, %add3A_632 : vector<128x64xf32>
    %sub3A_634 = arith.constant 1.000000e+00 : f32
    %sub3A_635 = vector.broadcast %sub3A_634 : f32 to vector<128x64xf32>
    %sub3A_636 = arith.subf %add3A_633, %sub3A_635 : vector<128x64xf32>
    %add3A_637 = vector.broadcast %mul3A_35 : vector<1x64xf32> to vector<128x64xf32>
    %add3A_638 = arith.addf %sub3A_636, %add3A_637 : vector<128x64xf32>
    %mul3A_639 = arith.mulf %slice3A_629, %add3A_638 : vector<128x64xf32>
    %dot_general3A_640 = arith.constant dense<0.000000e+00> : vector<128x1xf32>
    %dot_general3A_641 = tpu.matmul %mul3A_639, %broadcast_in_dim3A_41, %dot_general3A_640 {dimension_numbers = #tpu.dot_dimension_numbers<[1], [0], [0], [1], [0, 0, 1, 1], [], []>, precision = #tpu.contract_precision<fp32>, transpose_lhs_hint = false} : vector<128x64xf32>, vector<64x1xf32>, vector<128x1xf32> -> vector<128x1xf32>
    %convert_element_type3A_642 = arith.fptosi %dot_general3A_641 : vector<128x1xf32> to vector<128x1xi32>
    %swap3A_643 = arith.constant 3584 : index
    %swap3A_644 = arith.constant 0 : index
    %swap3A_645 = vector.load %arg2[%swap3A_643, %swap3A_644] : memref<4096x1xi32, #tpu.memory_space<vmem>>, vector<128x1xi32>
    tpu.vector_store %arg2[%swap3A_643, %swap3A_644], %convert_element_type3A_642 {strides = array<i32>} : memref<4096x1xi32, #tpu.memory_space<vmem>>, vector<128x1xi32>,
    %reduce_sum3A_646 = arith.constant dense<0.000000e+00> : vector<64xf32>
    %reduce_sum3A_647 = vector.multi_reduction <add>, %slice3A_629, %reduce_sum3A_646 [0] : vector<128x64xf32> to vector<64xf32>
    %broadcast_in_dim3A_648 = vector.shape_cast %reduce_sum3A_647 : vector<64xf32> to vector<1x64xf32>
    %add3A_649 = arith.addf %add3A_628, %broadcast_in_dim3A_648 : vector<1x64xf32>
    %slice3A_650 = vector.extract_strided_slice %convert_element_type3A_13 {offsets = [3712, 0], sizes = [128, 64], strides = [1, 1]} : vector<4096x64xf32> to vector<128x64xf32>
    %dot_general3A_651 = arith.constant dense<0.000000e+00> : vector<128x64xf32>
    %dot_general3A_652 = tpu.matmul %convert_element_type3A_39, %slice3A_650, %dot_general3A_651 {dimension_numbers = #tpu.dot_dimension_numbers<[1], [0], [0], [1], [0, 0, 1, 1], [], []>, precision = #tpu.contract_precision<fp32>, transpose_lhs_hint = false} : vector<128x128xf32>, vector<128x64xf32>, vector<128x64xf32> -> vector<128x64xf32>
    %add3A_653 = vector.broadcast %add3A_649 : vector<1x64xf32> to vector<128x64xf32>
    %add3A_654 = arith.addf %dot_general3A_652, %add3A_653 : vector<128x64xf32>
    %sub3A_655 = arith.constant 1.000000e+00 : f32
    %sub3A_656 = vector.broadcast %sub3A_655 : f32 to vector<128x64xf32>
    %sub3A_657 = arith.subf %add3A_654, %sub3A_656 : vector<128x64xf32>
    %add3A_658 = vector.broadcast %mul3A_35 : vector<1x64xf32> to vector<128x64xf32>
    %add3A_659 = arith.addf %sub3A_657, %add3A_658 : vector<128x64xf32>
    %mul3A_660 = arith.mulf %slice3A_650, %add3A_659 : vector<128x64xf32>
    %dot_general3A_661 = arith.constant dense<0.000000e+00> : vector<128x1xf32>
    %dot_general3A_662 = tpu.matmul %mul3A_660, %broadcast_in_dim3A_41, %dot_general3A_661 {dimension_numbers = #tpu.dot_dimension_numbers<[1], [0], [0], [1], [0, 0, 1, 1], [], []>, precision = #tpu.contract_precision<fp32>, transpose_lhs_hint = false} : vector<128x64xf32>, vector<64x1xf32>, vector<128x1xf32> -> vector<128x1xf32>
    %convert_element_type3A_663 = arith.fptosi %dot_general3A_662 : vector<128x1xf32> to vector<128x1xi32>
    %swap3A_664 = arith.constant 3712 : index
    %swap3A_665 = arith.constant 0 : index
    %swap3A_666 = vector.load %arg2[%swap3A_664, %swap3A_665] : memref<4096x1xi32, #tpu.memory_space<vmem>>, vector<128x1xi32>
    tpu.vector_store %arg2[%swap3A_664, %swap3A_665], %convert_element_type3A_663 {strides = array<i32>} : memref<4096x1xi32, #tpu.memory_space<vmem>>, vector<128x1xi32>,
    %reduce_sum3A_667 = arith.constant dense<0.000000e+00> : vector<64xf32>
    %reduce_sum3A_668 = vector.multi_reduction <add>, %slice3A_650, %reduce_sum3A_667 [0] : vector<128x64xf32> to vector<64xf32>
    %broadcast_in_dim3A_669 = vector.shape_cast %reduce_sum3A_668 : vector<64xf32> to vector<1x64xf32>
    %add3A_670 = arith.addf %add3A_649, %broadcast_in_dim3A_669 : vector<1x64xf32>
    %slice3A_671 = vector.extract_strided_slice %convert_element_type3A_13 {offsets = [3840, 0], sizes = [128, 64], strides = [1, 1]} : vector<4096x64xf32> to vector<128x64xf32>
    %dot_general3A_672 = arith.constant dense<0.000000e+00> : vector<128x64xf32>
    %dot_general3A_673 = tpu.matmul %convert_element_type3A_39, %slice3A_671, %dot_general3A_672 {dimension_numbers = #tpu.dot_dimension_numbers<[1], [0], [0], [1], [0, 0, 1, 1], [], []>, precision = #tpu.contract_precision<fp32>, transpose_lhs_hint = false} : vector<128x128xf32>, vector<128x64xf32>, vector<128x64xf32> -> vector<128x64xf32>
    %add3A_674 = vector.broadcast %add3A_670 : vector<1x64xf32> to vector<128x64xf32>
    %add3A_675 = arith.addf %dot_general3A_673, %add3A_674 : vector<128x64xf32>
    %sub3A_676 = arith.constant 1.000000e+00 : f32
    %sub3A_677 = vector.broadcast %sub3A_676 : f32 to vector<128x64xf32>
    %sub3A_678 = arith.subf %add3A_675, %sub3A_677 : vector<128x64xf32>
    %add3A_679 = vector.broadcast %mul3A_35 : vector<1x64xf32> to vector<128x64xf32>
    %add3A_680 = arith.addf %sub3A_678, %add3A_679 : vector<128x64xf32>
    %mul3A_681 = arith.mulf %slice3A_671, %add3A_680 : vector<128x64xf32>
    %dot_general3A_682 = arith.constant dense<0.000000e+00> : vector<128x1xf32>
    %dot_general3A_683 = tpu.matmul %mul3A_681, %broadcast_in_dim3A_41, %dot_general3A_682 {dimension_numbers = #tpu.dot_dimension_numbers<[1], [0], [0], [1], [0, 0, 1, 1], [], []>, precision = #tpu.contract_precision<fp32>, transpose_lhs_hint = false} : vector<128x64xf32>, vector<64x1xf32>, vector<128x1xf32> -> vector<128x1xf32>
    %convert_element_type3A_684 = arith.fptosi %dot_general3A_683 : vector<128x1xf32> to vector<128x1xi32>
    %swap3A_685 = arith.constant 3840 : index
    %swap3A_686 = arith.constant 0 : index
    %swap3A_687 = vector.load %arg2[%swap3A_685, %swap3A_686] : memref<4096x1xi32, #tpu.memory_space<vmem>>, vector<128x1xi32>
    tpu.vector_store %arg2[%swap3A_685, %swap3A_686], %convert_element_type3A_684 {strides = array<i32>} : memref<4096x1xi32, #tpu.memory_space<vmem>>, vector<128x1xi32>,
    %reduce_sum3A_688 = arith.constant dense<0.000000e+00> : vector<64xf32>
    %reduce_sum3A_689 = vector.multi_reduction <add>, %slice3A_671, %reduce_sum3A_688 [0] : vector<128x64xf32> to vector<64xf32>
    %broadcast_in_dim3A_690 = vector.shape_cast %reduce_sum3A_689 : vector<64xf32> to vector<1x64xf32>
    %add3A_691 = arith.addf %add3A_670, %broadcast_in_dim3A_690 : vector<1x64xf32>
    %slice3A_692 = vector.extract_strided_slice %convert_element_type3A_13 {offsets = [3968, 0], sizes = [128, 64], strides = [1, 1]} : vector<4096x64xf32> to vector<128x64xf32>
    %dot_general3A_693 = arith.constant dense<0.000000e+00> : vector<128x64xf32>
    %dot_general3A_694 = tpu.matmul %convert_element_type3A_39, %slice3A_692, %dot_general3A_693 {dimension_numbers = #tpu.dot_dimension_numbers<[1], [0], [0], [1], [0, 0, 1, 1], [], []>, precision = #tpu.contract_precision<fp32>, transpose_lhs_hint = false} : vector<128x128xf32>, vector<128x64xf32>, vector<128x64xf32> -> vector<128x64xf32>
    %add3A_695 = vector.broadcast %add3A_691 : vector<1x64xf32> to vector<128x64xf32>
    %add3A_696 = arith.addf %dot_general3A_694, %add3A_695 : vector<128x64xf32>
    %sub3A_697 = arith.constant 1.000000e+00 : f32
    %sub3A_698 = vector.broadcast %sub3A_697 : f32 to vector<128x64xf32>
    %sub3A_699 = arith.subf %add3A_696, %sub3A_698 : vector<128x64xf32>
    %add3A_700 = vector.broadcast %mul3A_35 : vector<1x64xf32> to vector<128x64xf32>
    %add3A_701 = arith.addf %sub3A_699, %add3A_700 : vector<128x64xf32>
    %mul3A_702 = arith.mulf %slice3A_692, %add3A_701 : vector<128x64xf32>
    %dot_general3A_703 = arith.constant dense<0.000000e+00> : vector<128x1xf32>
    %dot_general3A_704 = tpu.matmul %mul3A_702, %broadcast_in_dim3A_41, %dot_general3A_703 {dimension_numbers = #tpu.dot_dimension_numbers<[1], [0], [0], [1], [0, 0, 1, 1], [], []>, precision = #tpu.contract_precision<fp32>, transpose_lhs_hint = false} : vector<128x64xf32>, vector<64x1xf32>, vector<128x1xf32> -> vector<128x1xf32>
    %convert_element_type3A_705 = arith.fptosi %dot_general3A_704 : vector<128x1xf32> to vector<128x1xi32>
    %swap3A_706 = arith.constant 3968 : index
    %swap3A_707 = arith.constant 0 : index
    %swap3A_708 = vector.load %arg2[%swap3A_706, %swap3A_707] : memref<4096x1xi32, #tpu.memory_space<vmem>>, vector<128x1xi32>
    tpu.vector_store %arg2[%swap3A_706, %swap3A_707], %convert_element_type3A_705 {strides = array<i32>} : memref<4096x1xi32, #tpu.memory_space<vmem>>, vector<128x1xi32>,
    %iota3A_709 = tpu.iota {dimensions = array<i32: 0>} : vector<64x64xi32>
    %iota3A_710 = tpu.iota {dimensions = array<i32: 1>} : vector<64x64xi32>
    %eq3A_711 = arith.cmpi eq, %iota3A_709, %iota3A_710 : vector<64x64xi32>
    %convert_element_type3A_712 = arith.extui %eq3A_711 : vector<64x64xi1> to vector<64x64xi32>
    %convert_element_type3A_713 = arith.sitofp %convert_element_type3A_712 : vector<64x64xi32> to vector<64x64xf32>
    %dot_general3A_714 = arith.constant dense<0.000000e+00> : vector<64x1xf32>
    %dot_general3A_715 = tpu.matmul %convert_element_type3A_713, %add3A_28, %dot_general3A_714 {dimension_numbers = #tpu.dot_dimension_numbers<[1], [1], [0], [0], [0, 0, 1, 0], [], []>, precision = #tpu.contract_precision<fp32>, transpose_lhs_hint = false} : vector<64x64xf32>, vector<1x64xf32>, vector<64x1xf32> -> vector<64x1xf32>
    %dot_general3A_716 = arith.constant dense<0.000000e+00> : vector<64x1xf32>
    %dot_general3A_717 = tpu.matmul %convert_element_type3A_713, %dot_general3A_17, %dot_general3A_716 {dimension_numbers = #tpu.dot_dimension_numbers<[1], [1], [0], [0], [0, 0, 1, 0], [], []>, precision = #tpu.contract_precision<fp32>, transpose_lhs_hint = false} : vector<64x64xf32>, vector<1x64xf32>, vector<64x1xf32> -> vector<64x1xf32>
    %iota3A_718 = tpu.iota {dimensions = array<i32: 0>} : vector<64x1xi32>
    %convert_element_type3A_719 = arith.sitofp %iota3A_718 : vector<64x1xi32> to vector<64x1xf32>
    %gt3A = arith.constant 0.000000e+00 : f32
    %gt3A_720 = vector.broadcast %gt3A : f32 to vector<64x1xf32>
    %gt3A_721 = arith.cmpf ogt, %dot_general3A_717, %gt3A_720 : vector<64x1xf32>
    %jit3A_722 = arith.constant 0.000000e+00 : f32
    %broadcast_in_dim3A_723 = vector.broadcast %jit3A_722 : f32 to vector<64x1xf32>
    %select_n3A_724 = arith.select %gt3A_721, %convert_element_type3A_719, %broadcast_in_dim3A_723 : vector<64x1xi1>, vector<64x1xf32>
    %reduce_max3A_725 = vector.shape_cast %select_n3A_724 : vector<64x1xf32> to vector<1x64x1xf32>
    %reduce_max3A_726 = arith.constant dense<0xFF800000> : vector<1xf32>
    %reduce_max3A_727 = vector.multi_reduction <maximumf>, %reduce_max3A_725, %reduce_max3A_726 [1, 2] : vector<1x64x1xf32> to vector<1xf32>
    %reduce_max3A_728 = vector.shape_cast %reduce_max3A_727 : vector<1xf32> to vector<1x1x1xf32>
    %reduce_max3A_729 = vector.extract %reduce_max3A_728[0, 0, 0] : f32 from vector<1x1x1xf32>
    %iota3A_730 = tpu.iota {dimensions = array<i32: 1>} : vector<1x128xi32>
    %convert_element_type3A_731 = arith.sitofp %iota3A_730 : vector<1x128xi32> to vector<1x128xf32>
    %le3A_732 = vector.broadcast %dot_general3A_715 : vector<64x1xf32> to vector<64x128xf32>
    %le3A_733 = vector.broadcast %convert_element_type3A_731 : vector<1x128xf32> to vector<64x128xf32>
    %le3A_734 = arith.cmpf ole, %le3A_732, %le3A_733 : vector<64x128xf32>
    %convert_element_type3A_735 = arith.extui %le3A_734 : vector<64x128xi1> to vector<64x128xi32>
    %convert_element_type3A_736 = arith.sitofp %convert_element_type3A_735 : vector<64x128xi32> to vector<64x128xf32>
    %broadcast_in_dim3A_737 = arith.constant 1.000000e+00 : f32
    %broadcast_in_dim3A_738 = vector.broadcast %broadcast_in_dim3A_737 : f32 to vector<1x64xf32>
    %dot_general3A_739 = arith.constant dense<0.000000e+00> : vector<1x128xf32>
    %dot_general3A_740 = tpu.matmul %broadcast_in_dim3A_738, %convert_element_type3A_736, %dot_general3A_739 {dimension_numbers = #tpu.dot_dimension_numbers<[1], [0], [0], [1], [0, 0, 1, 1], [], []>, precision = #tpu.contract_precision<fp32>, transpose_lhs_hint = false} : vector<1x64xf32>, vector<64x128xf32>, vector<1x128xf32> -> vector<1x128xf32>
    %min3A = vector.broadcast %reduce_max3A_729 : f32 to vector<1x128xf32>
    %min3A_741 = arith.minimumf %dot_general3A_740, %min3A : vector<1x128xf32>
    %eq3A_742 = arith.constant 9.600000e+01 : f32
    %eq3A_743 = vector.broadcast %eq3A_742 : f32 to vector<1x128xf32>
    %eq3A_744 = arith.cmpf oeq, %convert_element_type3A_731, %eq3A_743 : vector<1x128xf32>
    %broadcast_in_dim3A_745 = vector.broadcast %reduce_sum3A_32 : f32 to vector<1x128xf32>
    %select_n3A_746 = arith.select %eq3A_744, %broadcast_in_dim3A_745, %min3A_741 : vector<1x128xi1>, vector<1x128xf32>
    %convert_element_type3A_747 = arith.fptosi %select_n3A_746 : vector<1x128xf32> to vector<1x128xi32>
    %swap3A_748 = arith.constant 0 : index
    %swap3A_749 = arith.constant 0 : index
    %swap3A_750 = vector.load %arg3[%swap3A_748, %swap3A_749] : memref<1x128xi32, #tpu.memory_space<vmem>>, vector<1x128xi32>
    tpu.vector_store %arg3[%swap3A_748, %swap3A_749], %convert_element_type3A_747 {strides = array<i32>} : memref<1x128xi32, #tpu.memory_space<vmem>>, vector<1x128xi32>,
    return
  }
}

module attributes {stable_mosaic.version = 14 : i64} {
  func.func @_ffn_body(%arg0: i32, %arg1: memref<128xi32, #tpu.memory_space<smem>>, %arg2: memref<128x768xf32, #tpu.memory_space<vmem>>, %arg3: memref<1x768x3072xf32, #tpu.memory_space<vmem>>, %arg4: memref<1x1x3072xf32, #tpu.memory_space<vmem>>, %arg5: memref<1x3072x768xf32, #tpu.memory_space<vmem>>, %arg6: memref<1x1x768xf32, #tpu.memory_space<vmem>>, %arg7: memref<128x768xf32, #tpu.memory_space<vmem>>, %arg8: memref<128x3072xf32, #tpu.memory_space<vmem>>) attributes {dimension_semantics = [#tpu.dimension_semantics<arbitrary>], iteration_bounds = array<i64: 96>, scalar_prefetch = 1 : i64, scratch_operands = 1 : i64, tpu.core_type = #tpu.core_type<tc>, window_params = [{transform_indices = @transform_0, window_bounds = array<i64: 128, 768>}, {transform_indices = @transform_1, window_bounds = array<i64: 1, 768, 3072>}, {transform_indices = @transform_2, window_bounds = array<i64: 1, 1, 3072>}, {transform_indices = @transform_3, window_bounds = array<i64: 1, 3072, 768>}, {transform_indices = @transform_4, window_bounds = array<i64: 1, 1, 768>}, {transform_indices = @transform_5, window_bounds = array<i64: 128, 768>}]} {
    %get3A = arith.constant 96 : index
    %get3A_0 = memref.load %arg1[%get3A] : memref<128xi32, #tpu.memory_space<smem>>
    %lt3A = arith.cmpi slt, %arg0, %get3A_0 : i32
    %convert_element_type3A = arith.extui %lt3A : i1 to i32
    %cond3A = arith.constant 0 : i32
    %cond3A_1 = arith.cmpi ne, %convert_element_type3A, %cond3A : i32
    scf.if %cond3A_1 {
      %get3A_2 = arith.constant 0 : index
      %get3A_3 = arith.constant 0 : index
      %get3A_4 = vector.load %arg2[%get3A_2, %get3A_3] : memref<128x768xf32, #tpu.memory_space<vmem>>, vector<128x768xf32>
      %get3A_5 = arith.constant 0 : index
      %get3A_6 = arith.constant 0 : index
      %get3A_7 = arith.constant 0 : index
      %get3A_8 = vector.load %arg3[%get3A_5, %get3A_6, %get3A_7] : memref<1x768x3072xf32, #tpu.memory_space<vmem>>, vector<1x768x3072xf32>
      %get3A_9 = vector.shape_cast %get3A_8 : vector<1x768x3072xf32> to vector<768x3072xf32>
      %dot_general3A = arith.constant dense<0.000000e+00> : vector<128x3072xf32>
      %dot_general3A_10 = tpu.matmul %get3A_4, %get3A_9, %dot_general3A {dimension_numbers = #tpu.dot_dimension_numbers<[1], [0], [0], [1], [0, 0, 1, 1], [], []>, transpose_lhs_hint = false} : vector<128x768xf32>, vector<768x3072xf32>, vector<128x3072xf32> -> vector<128x3072xf32>
      %get3A_11 = arith.constant 0 : index
      %get3A_12 = arith.constant 0 : index
      %get3A_13 = arith.constant 0 : index
      %get3A_14 = vector.load %arg4[%get3A_11, %get3A_12, %get3A_13] : memref<1x1x3072xf32, #tpu.memory_space<vmem>>, vector<1x1x3072xf32>
      %get3A_15 = vector.shape_cast %get3A_14 : vector<1x1x3072xf32> to vector<1x3072xf32>
      %add3A = vector.broadcast %get3A_15 : vector<1x3072xf32> to vector<128x3072xf32>
      %add3A_16 = arith.addf %dot_general3A_10, %add3A : vector<128x3072xf32>
      %mul3A = arith.constant 5.000000e-01 : f32
      %mul3A_17 = vector.broadcast %mul3A : f32 to vector<128x3072xf32>
      %mul3A_18 = arith.mulf %mul3A_17, %add3A_16 : vector<128x3072xf32>
      %mul3A_19 = arith.constant 0.707106769 : f32
      %mul3A_20 = vector.broadcast %mul3A_19 : f32 to vector<128x3072xf32>
      %mul3A_21 = arith.mulf %add3A_16, %mul3A_20 : vector<128x3072xf32>
      %erf3A = math.erf %mul3A_21 : vector<128x3072xf32>
      %add3A_22 = arith.constant 1.000000e+00 : f32
      %add3A_23 = vector.broadcast %add3A_22 : f32 to vector<128x3072xf32>
      %add3A_24 = arith.addf %add3A_23, %erf3A : vector<128x3072xf32>
      %mul3A_25 = arith.mulf %mul3A_18, %add3A_24 : vector<128x3072xf32>
      %swap3A = arith.constant 0 : index
      %swap3A_26 = arith.constant 0 : index
      %swap3A_27 = vector.load %arg8[%swap3A, %swap3A_26] : memref<128x3072xf32, #tpu.memory_space<vmem>>, vector<128x3072xf32>
      tpu.vector_store %arg8[%swap3A, %swap3A_26], %mul3A_25 {strides = array<i32>} : memref<128x3072xf32, #tpu.memory_space<vmem>>, vector<128x3072xf32>,
      %get3A_28 = arith.constant 0 : index
      %get3A_29 = arith.constant 0 : index
      %get3A_30 = vector.load %arg8[%get3A_28, %get3A_29] : memref<128x3072xf32, #tpu.memory_space<vmem>>, vector<128x3072xf32>
      %get3A_31 = arith.constant 0 : index
      %get3A_32 = arith.constant 0 : index
      %get3A_33 = arith.constant 0 : index
      %get3A_34 = vector.load %arg5[%get3A_31, %get3A_32, %get3A_33] : memref<1x3072x768xf32, #tpu.memory_space<vmem>>, vector<1x3072x768xf32>
      %get3A_35 = vector.shape_cast %get3A_34 : vector<1x3072x768xf32> to vector<3072x768xf32>
      %dot_general3A_36 = arith.constant dense<0.000000e+00> : vector<128x768xf32>
      %dot_general3A_37 = tpu.matmul %get3A_30, %get3A_35, %dot_general3A_36 {dimension_numbers = #tpu.dot_dimension_numbers<[1], [0], [0], [1], [0, 0, 1, 1], [], []>, transpose_lhs_hint = false} : vector<128x3072xf32>, vector<3072x768xf32>, vector<128x768xf32> -> vector<128x768xf32>
      %get3A_38 = arith.constant 0 : index
      %get3A_39 = arith.constant 0 : index
      %get3A_40 = arith.constant 0 : index
      %get3A_41 = vector.load %arg6[%get3A_38, %get3A_39, %get3A_40] : memref<1x1x768xf32, #tpu.memory_space<vmem>>, vector<1x1x768xf32>
      %get3A_42 = vector.shape_cast %get3A_41 : vector<1x1x768xf32> to vector<1x768xf32>
      %add3A_43 = vector.broadcast %get3A_42 : vector<1x768xf32> to vector<128x768xf32>
      %add3A_44 = arith.addf %dot_general3A_37, %add3A_43 : vector<128x768xf32>
      %swap3A_45 = arith.constant 0 : index
      %swap3A_46 = arith.constant 0 : index
      %swap3A_47 = vector.load %arg7[%swap3A_45, %swap3A_46] : memref<128x768xf32, #tpu.memory_space<vmem>>, vector<128x768xf32>
      tpu.vector_store %arg7[%swap3A_45, %swap3A_46], %add3A_44 {strides = array<i32>} : memref<128x768xf32, #tpu.memory_space<vmem>>, vector<128x768xf32>,
    } else {
    }
    return
  }
  func.func @transform_0(%arg0: i32, %arg1: memref<128xi32, #tpu.memory_space<smem>>) -> (i32, i32) {
    %c0_i32 = arith.constant 0 : i32
    %c0_i32_0 = arith.constant 0 : i32
    return %arg0, %c0_i32 : i32, i32
  }
  func.func @transform_1(%arg0: i32, %arg1: memref<128xi32, #tpu.memory_space<smem>>) -> (i32, i32, i32) {
    %get3A = arith.index_cast %arg0 : i32 to index
    %get3A_0 = memref.load %arg1[%get3A] : memref<128xi32, #tpu.memory_space<smem>>
    %c0_i32 = arith.constant 0 : i32
    %c0_i32_1 = arith.constant 0 : i32
    %c0_i32_2 = arith.constant 0 : i32
    return %get3A_0, %c0_i32, %c0_i32_1 : i32, i32, i32
  }
  func.func @transform_2(%arg0: i32, %arg1: memref<128xi32, #tpu.memory_space<smem>>) -> (i32, i32, i32) {
    %get3A = arith.index_cast %arg0 : i32 to index
    %get3A_0 = memref.load %arg1[%get3A] : memref<128xi32, #tpu.memory_space<smem>>
    %c0_i32 = arith.constant 0 : i32
    %c0_i32_1 = arith.constant 0 : i32
    %c0_i32_2 = arith.constant 0 : i32
    return %get3A_0, %c0_i32, %c0_i32_1 : i32, i32, i32
  }
  func.func @transform_3(%arg0: i32, %arg1: memref<128xi32, #tpu.memory_space<smem>>) -> (i32, i32, i32) {
    %get3A = arith.index_cast %arg0 : i32 to index
    %get3A_0 = memref.load %arg1[%get3A] : memref<128xi32, #tpu.memory_space<smem>>
    %c0_i32 = arith.constant 0 : i32
    %c0_i32_1 = arith.constant 0 : i32
    %c0_i32_2 = arith.constant 0 : i32
    return %get3A_0, %c0_i32, %c0_i32_1 : i32, i32, i32
  }
  func.func @transform_4(%arg0: i32, %arg1: memref<128xi32, #tpu.memory_space<smem>>) -> (i32, i32, i32) {
    %get3A = arith.index_cast %arg0 : i32 to index
    %get3A_0 = memref.load %arg1[%get3A] : memref<128xi32, #tpu.memory_space<smem>>
    %c0_i32 = arith.constant 0 : i32
    %c0_i32_1 = arith.constant 0 : i32
    %c0_i32_2 = arith.constant 0 : i32
    return %get3A_0, %c0_i32, %c0_i32_1 : i32, i32, i32
  }
  func.func @transform_5(%arg0: i32, %arg1: memref<128xi32, #tpu.memory_space<smem>>) -> (i32, i32) {
    %c0_i32 = arith.constant 0 : i32
    %c0_i32_0 = arith.constant 0 : i32
    return %arg0, %c0_i32 : i32, i32
  }
}

</mosaic_0001>

<sc_bundles>
// kernel: kernel.6.cloned.1.call-start
scs
__scs_entry_jumppad:
0x0: {  	(pc) =	sbr.rel $0x88, $3  }
0x1: {  	(tag) =	ssettag $0x0;
	lr =	simm.s32 $0x1  }
0x2: {  	[smem:$0x3F9B] =	sst lr;
	_ =	strace $0xD0000000  }
0x3: {  	_ = 	snop  }
0x4: {  	_ = 	snop  }
0x5: {  	_ = 	snop  }
0x6: {  	_ = 	snop  }
0x7: {  	_ = 	snop  }
__scs_overlays_trampoline_lowered:
0x8: {  	[smem:$0x3FAA] =	sst s0  }
0x9: {  	[smem:$0x3FAB] =	sst s1  }
0xa: {  	[smem:$0x3FAC] =	sst s2  }
0xb: {  	[smem:$0x3FAD] =	sst s3  }
0xc: {  	[smem:$0x3FAE] =	sst s4  }
0xd: {  	[smem:$0x3FAF] =	sst s5  }
0xe: {  	[smem:$0x3FB0] =	sst s6  }
0xf: {  	[smem:$0x3FB1] =	sst s7  }
0x10: {  	[smem:$0x3FB2] =	sst s8  }
0x11: {  	[smem:$0x3FB3] =	sst s9;
	s0 =	simm.s32 @!p0 $0x0  }
0x12: {  	s1 =	sld [smem:$0x3F99];
	s0 =	simm.s32 @p0 $0x1  }
0x13: {  	[smem:$0x3FB4] =	sst s0;
	s0 =	simm.s32 @!p1 $0x0  }
0x14: {  	s2 =	sld [smem:$0x3F98];
	s0 =	simm.s32 @p1 $0x1  }
0x15: {  	[smem:$0x3FB5] =	sst s0;
	s0 =	simm.s32 @!p2 $0x0  }
0x16: {  	s3 =	sld [smem:$0x3FDB];
	s0 =	simm.s32 @p2 $0x1  }
0x17: {  	s4 =	simm.s32 $0x1BF5;
	[smem:$0x3FB7] =	sst s0  }
0x18: {  	s0 =	sld [smem:$0x3F9A];
	_ =	swait.ge [sflag:s4], $0x0  }
0x19: {  	s7 =	sld [smem:$0x3F9B]  }
0x1a: {  	s8 =	sadd.s32 $0xFFFFE003, lr  }
0x1b: {  	s9 =	sadd.s32 $0xFFFFFEF7, lr;
	s5 =	simm.s32 $0xFFFFFFFF;
	p2 =	slt.u32 s8, $0xFFFFF086  }
0x1c: {  	p1 =	slt.u32 s9, $0xF7A;
	s5 =	simm.s32 @!p2 $0x0  }
0x1d: {  	s5 =	simm.s32 @p1 $0x1;
	p0 =	seq.s32 s7, s2  }
0x1e: {  	s7 =	smul.u32 @!p0 $0xF7A, s2;
	p2 =	seq.s32 @!p0 s5, $0x0  }
0x1f: {  	s9 =	smul.u32 $0xF7A, s1;
	s8 =	simm.s32 @!p0 $0x1BF5;
	p2 =	por !p2, p0  }
0x20: {  	[sflag:s8] =	ssyncset.s32 @!p0 $0xFFFFF086;
	s6 =	sadd.s32 @!p0 s3, s7;
	s7 =	simm.s32 @!p0 $0x108  }
0x21: {  	s3 =	sadd.s32 s3, s9;
	s6 =	sadd.s32 @!p0 $0x88, s6;
	s7 =	simm.s32 @p2 $0x1082  }
0x22: {  	[simem:s7], [sflag:s8] =	dma.local @!p0 [hbm:s6], $0xF7A  }
0x23: {  	s9 =	sor.u32 $0xD0000000, s2;
	s6 =	simm.s32 $0x108;
	_ =	swait.ge @!p0 [sflag:s8], $0x0  }
0x24: {  	s3 =	sadd.s32 $0x88, s3;
	s6 =	simm.s32 @!p1 $0x1082;
	[sflag:s4] =	ssyncset.s32 $0xFFFFF086  }
0x25: {  	[simem:s6], [sflag:s4] =	dma.local [hbm:s3], $0xF7A  }
0x26: {  	[smem:$0x3F9B] =	sst s1;
	(tag) =	ssettag s2;
	_ =	strace s9  }
0x27: {  	s1 =	sld [smem:$0x3FAB]  }
0x28: {  	s2 =	sld [smem:$0x3FAC]  }
0x29: {  	s4 =	sld [smem:$0x3FAE]  }
0x2a: {  	p0 =	seq.s32 s5, $0x0;
	s5 =	sld [smem:$0x3FAF]  }
0x2b: {  	s6 =	sld [smem:$0x3FB0]  }
0x2c: {  	s7 =	sld [smem:$0x3FB1]  }
0x2d: {  	s3 =	simm.s32 $0x108;
	s8 =	sld [smem:$0x3FB2]  }
0x2e: {  	s3 =	simm.s32 @!p0 $0x1082;
	s9 =	sld [smem:$0x3FB3]  }
0x2f: {  	lr =	sadd.s32 s0, s3;
	s0 =	sld [smem:$0x3FAA]  }
0x30: {  	s3 =	sld [smem:$0x3FAD]  }
0x31: {  	[smem:$0x3FB6] =	sst s10  }
0x32: {  	s10 =	sld [smem:$0x3FB4];
	_ =	sdelay $0x3  }
0x33: {  	p0 =	seq.s32 s10, $0x1;
	s10 =	sld [smem:$0x3FB6];
	_ =	sdelay $0x3  }
0x34: {  	[smem:$0x3FB6] =	sst s10  }
0x35: {  	s10 =	sld [smem:$0x3FB5];
	_ =	sdelay $0x3  }
0x36: {  	p1 =	seq.s32 s10, $0x1;
	s10 =	sld [smem:$0x3FB6];
	_ =	sdelay $0x3  }
0x37: {  	[smem:$0x3FB6] =	sst s10  }
0x38: {  	s10 =	sld [smem:$0x3FB7]  }
0x39: {  	_ = 	snop;
	(pc) =	sbr.ind lr, $3  }
0x3a: {  	_ = 	snop  }
0x3b: {  	_ = 	snop  }
0x3c: {  	p2 =	seq.s32 s10, $0x1;
	s10 =	sld [smem:$0x3FB6]  }
0x3d: {  	_ =	shalt  }
0x3e: {  	_ =	shalt  }
0x3f: {  	_ =	shalt  }
0x40: {  	_ =	shalt  }
0x41: {  	_ =	shalt  }
0x42: {  	_ =	shalt  }
0x43: {  	_ =	shalt  }
0x44: {  	_ =	shalt  }
0x45: {  	_ =	shalt  }
0x46: {  	_ =	shalt  }
0x47: {  	_ =	shalt  }
0x48: {  	_ =	shalt  }
0x49: {  	_ =	shalt  }
0x4a: {  	_ =	shalt  }
0x4b: {  	_ =	shalt  }
0x4c: {  	_ =	shalt  }
0x4d: {  	_ =	shalt  }
0x4e: {  	_ =	shalt  }
0x4f: {  	_ =	shalt  }
0x50: {  	_ =	shalt  }
0x51: {  	_ =	shalt  }
0x52: {  	_ =	shalt  }
0x53: {  	_ =	shalt  }
0x54: {  	_ =	shalt  }
0x55: {  	_ =	shalt  }
0x56: {  	_ =	shalt  }
0x57: {  	_ =	shalt  }
0x58: {  	_ =	shalt  }
0x59: {  	_ =	shalt  }
0x5a: {  	_ =	shalt  }
0x5b: {  	_ =	shalt  }
0x5c: {  	_ =	shalt  }
0x5d: {  	_ =	shalt  }
0x5e: {  	_ =	shalt  }
0x5f: {  	_ =	shalt  }
0x60: {  	_ =	shalt  }
0x61: {  	_ =	shalt  }
0x62: {  	_ =	shalt  }
0x63: {  	_ =	shalt  }
0x64: {  	_ =	shalt  }
0x65: {  	_ =	shalt  }
0x66: {  	_ =	shalt  }
0x67: {  	_ =	shalt  }
0x68: {  	_ =	shalt  }
0x69: {  	_ =	shalt  }
0x6a: {  	_ =	shalt  }
0x6b: {  	_ =	shalt  }
0x6c: {  	_ =	shalt  }
0x6d: {  	_ =	shalt  }
0x6e: {  	_ =	shalt  }
0x6f: {  	_ =	shalt  }
0x70: {  	_ =	shalt  }
0x71: {  	_ =	shalt  }
0x72: {  	_ =	shalt  }
0x73: {  	_ =	shalt  }
0x74: {  	_ =	shalt  }
0x75: {  	_ =	shalt  }
0x76: {  	_ =	shalt  }
0x77: {  	_ =	shalt  }
0x78: {  	_ =	shalt  }
0x79: {  	_ =	shalt  }
0x7a: {  	_ =	shalt  }
0x7b: {  	_ =	shalt  }
0x7c: {  	_ =	shalt  }
0x7d: {  	_ =	shalt  }
0x7e: {  	_ =	shalt  }
0x7f: {  	_ =	shalt  }
0x80: {  	_ =	shalt  }
0x81: {  	_ =	shalt  }
0x82: {  	_ =	shalt  }
0x83: {  	_ =	shalt  }
0x84: {  	_ =	shalt  }
0x85: {  	_ =	shalt  }
0x86: {  	_ =	shalt  }
0x87: {  	_ =	shalt  }
.Lfunc_end0:
.L_simem_size_0:
called_computation_lowered:
.L_overlay_start_0:
0x88: {  	s2 =	sld [smem:$0x3FD9]  }
0x89: {  	s3 =	sld [smem:$0x3FFE];
	_ =	sdelay $0x1  }
0x8a: {  	s1 =	srdreg.scid  }
0x8b: {  	s0 =	sand.u32 $0x1, s1  }
0x8c: {  	s17 =	sshll.u32 s0, $0xA;
	s2 =	sadd.s32 s3, s2  }
0x8d: {  	s2 =	sadd.s32 s2, s17  }
0x8e: {  	[smem:$0x3FC2] =	sst s2  }
0x8f: {  	_ = 	snop  }
0x90: {  	s2 =	sld [smem:$0x3FC9];
	(tm) =	ssettm $0x1  }
0x91: {  	s18 =	sld [smem:$0x3FFB];
	_ =	sdelay $0x3  }
0x92: {  	_ =	strace s18  }
0x93: {  	s3 =	sld [smem:$0x3FFC];
	_ =	sdelay $0x3  }
0x94: {  	_ =	strace s3  }
0x95: {  	s3 =	sld [smem:$0x3FFD];
	_ =	sdelay $0x3  }
0x96: {  	_ =	strace s3  }
0x97: {  	_ =	strace $0x8FFFFFFF  }
0x98: {  	s19 =	sld [smem:$0x3FDB];
	_ =	sdelay $0x1  }
0x99: {  	s4 =	simm.s32 $_scs_section_size  }
0x9a: {  	s5 =	simm.s32 $_size__tile_overlayer_lowered;
	s6 =	simm.s32 $_tile_overlayer_lowered  }
0x9b: {  	s22 =	simm.s32 $0x1BFF;
	s21 =	sshll.u32 s6, $0x1;
	s3 =	sadd.s32 s4, s19  }
0x9c: {  	s7 =	simm.s32 $0x0;
	s20 =	sshll.u32 s5, $0x1;
	s5 =	sadd.s32 s21, s3  }
0x9d: {  	[timem:s7], [sflag:s22] =	dma.local [hbm:s5], s20  }
0x9e: {  	_ =	swait.ge [sflag:s22], s20  }
0x9f: {  	s4 =	ssub.s32 $0x0, s20;
	[sflag:s22] =	ssyncset.done $0x0  }
0xa0: {  	[sflag:s22] =	ssyncadd.s32 s4;
	_ =	sdelay $0x1  }
0xa1: {  	s23 =	simm.s32 $0x1B8B  }
0xa2: {  	_ =	swait.ge [sflag:s23], $0x1  }
0xa3: {  	[sflag:s23] =	ssyncset.done $0x0  }
0xa4: {  	s25 =	simm.s32 $0x1B8E;
	s24 =	sld [smem:$0x3FFE];
	[sflag:s23] =	ssyncadd.s32 $0xFFFFFFFF  }
0xa5: {  	s26 =	simm.s32 $execute0_lowered;
	[smem:$0x3FD2] =	sst s25  }
0xa6: {  	s5 =	sshll.u32 s26, $0x1;
	_ =	strace $0x80000046;
	[dreg:$0x1] =	wrdreg $0xFFFFFFFF  }
0xa7: {  	s28 =	simm.s32 $_size_execute0_lowered;
	s3 =	sadd.s32 s3, s5;
	[dreg:$0x0] =	wrdreg $0x0  }
0xa8: {  	s5 =	sshll.u32 s28, $0x1;
	[dreg:$0x2] =	wrdreg s3  }
0xa9: {  	[dreg:$0x3] =	wrdreg s5  }
0xaa: {  	[dreg:$0x4] =	wrdreg $0xC0  }
0xab: {  	_ =	task [dreg:s7], $0x5FFFF  }
0xac: {  	[dreg:$0x1] =	wrdreg $0xFFFFFFFF  }
0xad: {  	[dreg:$0x0] =	wrdreg $0x60  }
0xae: {  	[dreg:$0x2] =	wrdreg s2  }
0xaf: {  	[dreg:$0x3] =	wrdreg s24  }
0xb0: {  	[dreg:$0x4] =	wrdreg $0x9  }
0xb1: {  	_ =	task.clear_ibuf [dreg:s7], $0x5FFFF;
	_ =	strace $0x90000046  }
0xb2: {  	s29 =	simm.s32 $0x9;
	_ =	strace $0x80000048  }
0xb3: {  	_ =	swait.ge [sflag:s29], $0x1  }
0xb4: {  	[sflag:s29] =	ssyncadd.s32 $0xFFFFFFFF  }
0xb5: {  	_ =	strace $0x90000048  }
0xb6: {  	_ =	sfence  }
0xb7: {  	s30 =	sld [smem:$0x0];
	_ =	sdelay $0x2  }
0xb8: {  	s31 =	sshll.u32 s1, $0xD;
	s1 =	sshrl.u32 s1, $0x2  }
0xb9: {  	s3 =	sand.u32 $0x4000, s31;
	s1 =	sadd.s32 s1, s30  }
0xba: {  	s0 =	sor.u32 s3, s0;
	s1 =	sshll.u32 s1, $0x11  }
0xbb: {  	s0 =	sor.u32 s1, s0  }
0xbc: {  	s0 =	sadd.s32 $0x8F2B, s0  }
0xbd: {  	[sflag:s0] =	ssyncadd.remote.s32 $0x1  }
0xbe: {  	_ =	sfence.sel $0xFFFF  }
0xbf: {  	[dreg:$0x0] =	wrdreg $0xFFFFFFFF;
	(pc) =	sbr.abs _section_cstart, $3  }
0xc0: {  	[dreg:$0x1] =	wrdreg $0xFFFFFFFF  }
0xc1: {  	_ =	task.clear_ibuf [dreg:s7], $0x2FFFF;
	_ =	strace $0x9FFFFFFF  }
0xc2: {  	(tm) =	ssettm $0x7FFFFFFF  }
0xc3: {  	_ =	shalt  }
tec
execute0_lowered:
.L_overlay_start_1:
0x0: {  	(tag) =	ssettag $0x1  }
0x1: {  	s3 =	rddreg [dreg:$0x0]  }
0x2: {  	s5 =	rddreg [dreg:$0x1];
	s2 =	simm.s32 $0x0  }
0x3: {  	s0 =	stileid.u32;
	s25 =	simm.s32 $0x880;
	[smem:$0x7FF] =	sst s2  }
0x4: {  	s26 =	simm.s32 $0x1080;
	_ =	strace $0x80000047;
	[dreg:$0x5] =	wrdreg s25  }
0x5: {  	s4 =	sshll.u32 s0, $0x5;
	s0 =	simm.s32 $0x1880;
	[dreg:$0x6] =	wrdreg s26  }
0x6: {  	s7 =	simm.s32 $0x3080;
	[dreg:$0x7] =	wrdreg s0  }
0x7: {  	s8 =	simm.s32 $0x3880;
	[dreg:$0xa] =	wrdreg s7  }
0x8: {  	s9 =	simm.s32 $0x4080;
	[dreg:$0xb] =	wrdreg s8  }
0x9: {  	s10 =	simm.s32 $0x4880;
	[dreg:$0xc] =	wrdreg s9  }
0xa: {  	s11 =	simm.s32 $0x5080;
	[dreg:$0xd] =	wrdreg s10  }
0xb: {  	s12 =	simm.s32 $0x5880;
	[dreg:$0xe] =	wrdreg s11  }
0xc: {  	s13 =	simm.s32 $0x6080;
	[dreg:$0xf] =	wrdreg s12  }
0xd: {  	s14 =	simm.s32 $0x6880;
	[dreg:$0x10] =	wrdreg s13  }
0xe: {  	s15 =	simm.s32 $0x7080;
	[dreg:$0x11] =	wrdreg s14  }
0xf: {  	s16 =	simm.s32 $0x7880;
	[dreg:$0x12] =	wrdreg s15  }
0x10: {  	s1 =	srdreg.scid;
	s17 =	simm.s32 $0x8080;
	[dreg:$0x13] =	wrdreg s16  }
0x11: {  	s18 =	simm.s32 $0x8880;
	s19 =	simm.s32 $0x9080;
	[dreg:$0x14] =	wrdreg s17  }
0x12: {  	s21 =	simm.s32 $0x9880;
	s22 =	simm.s32 $0xA080;
	[dreg:$0x15] =	wrdreg s18  }
0x13: {  	s23 =	simm.s32 $0xA880;
	s24 =	simm.s32 $0xB880;
	[dreg:$0x16] =	wrdreg s19  }
0x14: {  	s28 =	simm.s32 $0x16080;
	s29 =	simm.s32 $0x16880;
	[dreg:$0x17] =	wrdreg s21  }
0x15: {  	s30 =	simm.s32 $0x17080;
	s1 =	sand.u32 $0x1, s1;
	[dreg:$0x18] =	wrdreg s22  }
0x16: {  	s31 =	simm.s32 $0x17880;
	s6 =	sshll.u32 s1, $0x4;
	[dreg:$0x19] =	wrdreg s23  }
0x17: {  	s1 =	ssub.s32 $0x2, s1;
	s7 =	simm.s32 $0xB080;
	[dreg:$0x1b] =	wrdreg s24  }
0x18: {  	s25 =	simm.s32 $0xC080;
	s8 =	simm.s32 $0x80;
	s26 =	simm.s32 $0xC880  }
0x19: {  	s10 =	simm.s32 $0xD880;
	s11 =	simm.s32 $0xE080;
	s12 =	simm.s32 $0xE880  }
0x1a: {  	s13 =	simm.s32 $0xF080;
	s14 =	simm.s32 $0xF880;
	s15 =	simm.s32 $0x10080  }
0x1b: {  	s16 =	simm.s32 $0x10880;
	s17 =	simm.s32 $0x11080;
	s18 =	simm.s32 $0x11880  }
0x1c: {  	s19 =	simm.s32 $0x12080;
	s21 =	simm.s32 $0x13080;
	s22 =	simm.s32 $0x13880  }
0x1d: {  	s23 =	simm.s32 $0x14080;
	s24 =	simm.s32 $0x14880;
	s4 =	sor.u32 s6, s4  }
0x1e: {  	s20 =	sshrl.u32 s1, $0x1;
	[dreg:$0x1a] =	wrdreg s7;
	s7 =	simm.s32 $0x2  }
0x1f: {  	[dreg:$0x1c] =	wrdreg s25;
	s6 =	sadd.s32 s4, s5;
	s4 =	smul.u32 $0x300, s4  }
0x20: {  	[dreg:$0x1d] =	wrdreg s26;
	s25 =	simm.s32 $0x15080;
	s6 =	sadd.s32 $0x1200, s6  }
0x21: {  	s26 =	simm.s32 $0x15880;
	[dreg:$0x3] =	wrdreg s6;
	s3 =	sadd.s32 s3, s4  }
0x22: {  	s1 =	ssub.s32 s1, s20;
	s4 =	simm.s32 $0x2080;
	[dreg:$0x4] =	wrdreg s3  }
0x23: {  	v2 =	vlaneseq.u32;
	s20 =	simm.s32 $0x12880;
	s6 =	simm.s32 $0x2880;
	[dreg:$0x8] =	wrdreg s4  }
0x24: {  	vm0 =	vmmov $0xffff;
	v1 =	vshrl.u32 v2, $0x3;
	[dreg:$0x9] =	wrdreg s6;
	s3 =	sadd.s32 $0x1400, s5;
	s4 =	sadd.s32 $0x1500, s5  }
0x25: {  	v0 =	vand.u32 $0x7, v2;
	v2 =	vor.u32 $0x8, v2;
	v1 =	vmul.u32 $0x8, v1;
	s5 =	sadd.s32 $0x1600, s5;
	s6 =	smax.u32 s1, $0x1;
	s1 =	simm.s32 $0x1  }
.LBB2_1:
0x26: {  	s0 =	rddreg [dreg:$0x3]  }
0x27: {  	[tilespmem:s2], [sflag:$0x2] =	stream.linear.gather [hbm4b:s0+s2], $0x80, $0x38;
	[tilespmem:$0x18080] =	vst v63  }
0x28: {  	_ =	swait.ge [sflag:s7], $0x80  }
0x29: {  	[sflag:s7] =	ssyncset.done $0x0  }
0x2a: {  	s9 =	rddreg [dreg:$0x4];
	[sflag:s7] =	ssyncadd.s32 $0xFFFFFF80  }
0x2b: {  	[tilespmem:s8], [sflag:$0x2] =	stream.linear.gather [hbm4b:s9+s2], $0x18000, $0x38;
	[tilespmem:$0x18080] =	vst v63  }
0x2c: {  	_ =	swait.ge [sflag:s7], $0x18000  }
0x2d: {  	[sflag:s7] =	ssyncset.done $0x0  }
0x2e: {  	[sflag:s7] =	ssyncadd.s32 $0xFFFE8000  }
0x2f: {  	v3 =	vld [tilespmem:$0x0];
	_ =	sdelay $0x4  }
0x30: {  	v4 =	vshrl.u32 v3, $0x3  }
0x31: {  	v4 =	vmul.u32 $0x30, v4  }
0x32: {  	v3 =	vand.u32 $0x7, v3  }
0x33: {  	v3 =	vor.u32 v3, v4  }
0x34: {  	v4 =	vperm.xlane v3, v0;
	_ =	sdelay $0x1  }
0x35: {  	v4 =	vadd.s32 v1, v4;
	_ =	sdelay $0x3  }
0x36: {  	v3 =	vperm.xlane v3, v2  }
0x37: {  	[hbm4b:s3+s2] =	stream.indirect_vreg.scatter [tilespmem:s8], [sflag:$0x1], $0x80, v4, vm0, $0xb8;
	[tilespmem:$0x18080] =	vst v63  }
0x38: {  	s0 =	rddreg [dreg:$0x5];
	v3 =	vadd.s32 v1, v3  }
0x39: {  	[hbm4b:s4+s2] =	stream.indirect_vreg.scatter [tilespmem:s0], [sflag:$0x1], $0x80, v4, vm0, $0xb8;
	[tilespmem:$0x18080] =	vst v63  }
0x3a: {  	s9 =	rddreg [dreg:$0x6]  }
0x3b: {  	[hbm4b:s5+s2] =	stream.indirect_vreg.scatter [tilespmem:s9], [sflag:$0x1], $0x80, v4, vm0, $0xb8;
	[tilespmem:$0x18080] =	vst v63  }
0x3c: {  	s0 =	rddreg [dreg:$0x7]  }
0x3d: {  	[hbm4b:s3+s2] =	stream.indirect_vreg.scatter [tilespmem:s0], [sflag:$0x1], $0x80, v3, vm0, $0xb8;
	[tilespmem:$0x18080] =	vst v63  }
0x3e: {  	s9 =	rddreg [dreg:$0x8]  }
0x3f: {  	[hbm4b:s4+s2] =	stream.indirect_vreg.scatter [tilespmem:s9], [sflag:$0x1], $0x80, v3, vm0, $0xb8;
	[tilespmem:$0x18080] =	vst v63  }
0x40: {  	s0 =	rddreg [dreg:$0x9]  }
0x41: {  	[hbm4b:s5+s2] =	stream.indirect_vreg.scatter [tilespmem:s0], [sflag:$0x1], $0x80, v3, vm0, $0xb8;
	[tilespmem:$0x18080] =	vst v63  }
0x42: {  	v3 =	vld [tilespmem:$0x10];
	_ =	sdelay $0x4  }
0x43: {  	v57 =	vshrl.u32 v3, $0x3  }
0x44: {  	v4 =	vmul.u32 $0x30, v57  }
0x45: {  	v3 =	vand.u32 $0x7, v3  }
0x46: {  	v3 =	vor.u32 v3, v4  }
0x47: {  	v4 =	vperm.xlane v3, v0;
	_ =	sdelay $0x1  }
0x48: {  	v4 =	vadd.s32 v1, v4;
	_ =	sdelay $0x3  }
0x49: {  	s0 =	rddreg [dreg:$0xa];
	v3 =	vperm.xlane v3, v2  }
0x4a: {  	[hbm4b:s3+s2] =	stream.indirect_vreg.scatter [tilespmem:s0], [sflag:$0x1], $0x80, v4, vm0, $0xb8;
	[tilespmem:$0x18080] =	vst v63  }
0x4b: {  	s9 =	rddreg [dreg:$0xb];
	v3 =	vadd.s32 v1, v3  }
0x4c: {  	[hbm4b:s4+s2] =	stream.indirect_vreg.scatter [tilespmem:s9], [sflag:$0x1], $0x80, v4, vm0, $0xb8;
	[tilespmem:$0x18080] =	vst v63  }
0x4d: {  	s0 =	rddreg [dreg:$0xc]  }
0x4e: {  	[hbm4b:s5+s2] =	stream.indirect_vreg.scatter [tilespmem:s0], [sflag:$0x1], $0x80, v4, vm0, $0xb8;
	[tilespmem:$0x18080] =	vst v63  }
0x4f: {  	s9 =	rddreg [dreg:$0xd]  }
0x50: {  	[hbm4b:s3+s2] =	stream.indirect_vreg.scatter [tilespmem:s9], [sflag:$0x1], $0x80, v3, vm0, $0xb8;
	[tilespmem:$0x18080] =	vst v63  }
0x51: {  	s0 =	rddreg [dreg:$0xe]  }
0x52: {  	[hbm4b:s4+s2] =	stream.indirect_vreg.scatter [tilespmem:s0], [sflag:$0x1], $0x80, v3, vm0, $0xb8;
	[tilespmem:$0x18080] =	vst v63  }
0x53: {  	s9 =	rddreg [dreg:$0xf]  }
0x54: {  	[hbm4b:s5+s2] =	stream.indirect_vreg.scatter [tilespmem:s9], [sflag:$0x1], $0x80, v3, vm0, $0xb8;
	[tilespmem:$0x18080] =	vst v63  }
0x55: {  	v3 =	vld [tilespmem:$0x20];
	_ =	sdelay $0x4  }
0x56: {  	v58 =	vshrl.u32 v3, $0x3  }
0x57: {  	v4 =	vmul.u32 $0x30, v58  }
0x58: {  	v3 =	vand.u32 $0x7, v3  }
0x59: {  	v3 =	vor.u32 v3, v4  }
0x5a: {  	v4 =	vperm.xlane v3, v0;
	_ =	sdelay $0x1  }
0x5b: {  	v4 =	vadd.s32 v1, v4;
	_ =	sdelay $0x3  }
0x5c: {  	s0 =	rddreg [dreg:$0x10];
	v3 =	vperm.xlane v3, v2  }
0x5d: {  	[hbm4b:s3+s2] =	stream.indirect_vreg.scatter [tilespmem:s0], [sflag:$0x1], $0x80, v4, vm0, $0xb8;
	[tilespmem:$0x18080] =	vst v63  }
0x5e: {  	s9 =	rddreg [dreg:$0x11];
	v3 =	vadd.s32 v1, v3  }
0x5f: {  	[hbm4b:s4+s2] =	stream.indirect_vreg.scatter [tilespmem:s9], [sflag:$0x1], $0x80, v4, vm0, $0xb8;
	[tilespmem:$0x18080] =	vst v63  }
0x60: {  	s0 =	rddreg [dreg:$0x12]  }
0x61: {  	[hbm4b:s5+s2] =	stream.indirect_vreg.scatter [tilespmem:s0], [sflag:$0x1], $0x80, v4, vm0, $0xb8;
	[tilespmem:$0x18080] =	vst v63  }
0x62: {  	s9 =	rddreg [dreg:$0x13]  }
0x63: {  	[hbm4b:s3+s2] =	stream.indirect_vreg.scatter [tilespmem:s9], [sflag:$0x1], $0x80, v3, vm0, $0xb8;
	[tilespmem:$0x18080] =	vst v63  }
0x64: {  	s0 =	rddreg [dreg:$0x14]  }
0x65: {  	[hbm4b:s4+s2] =	stream.indirect_vreg.scatter [tilespmem:s0], [sflag:$0x1], $0x80, v3, vm0, $0xb8;
	[tilespmem:$0x18080] =	vst v63  }
0x66: {  	s9 =	rddreg [dreg:$0x15]  }
0x67: {  	[hbm4b:s5+s2] =	stream.indirect_vreg.scatter [tilespmem:s9], [sflag:$0x1], $0x80, v3, vm0, $0xb8;
	[tilespmem:$0x18080] =	vst v63  }
0x68: {  	v3 =	vld [tilespmem:$0x30];
	_ =	sdelay $0x4  }
0x69: {  	v59 =	vshrl.u32 v3, $0x3  }
0x6a: {  	v4 =	vmul.u32 $0x30, v59  }
0x6b: {  	v3 =	vand.u32 $0x7, v3  }
0x6c: {  	v3 =	vor.u32 v3, v4  }
0x6d: {  	v4 =	vperm.xlane v3, v0;
	_ =	sdelay $0x1  }
0x6e: {  	v4 =	vadd.s32 v1, v4;
	_ =	sdelay $0x3  }
0x6f: {  	s0 =	rddreg [dreg:$0x16];
	v3 =	vperm.xlane v3, v2  }
0x70: {  	[hbm4b:s3+s2] =	stream.indirect_vreg.scatter [tilespmem:s0], [sflag:$0x1], $0x80, v4, vm0, $0xb8;
	[tilespmem:$0x18080] =	vst v63  }
0x71: {  	s9 =	rddreg [dreg:$0x17];
	v3 =	vadd.s32 v1, v3  }
0x72: {  	[hbm4b:s4+s2] =	stream.indirect_vreg.scatter [tilespmem:s9], [sflag:$0x1], $0x80, v4, vm0, $0xb8;
	[tilespmem:$0x18080] =	vst v63  }
0x73: {  	s0 =	rddreg [dreg:$0x18]  }
0x74: {  	[hbm4b:s5+s2] =	stream.indirect_vreg.scatter [tilespmem:s0], [sflag:$0x1], $0x80, v4, vm0, $0xb8;
	[tilespmem:$0x18080] =	vst v63  }
0x75: {  	s9 =	rddreg [dreg:$0x19]  }
0x76: {  	[hbm4b:s3+s2] =	stream.indirect_vreg.scatter [tilespmem:s9], [sflag:$0x1], $0x80, v3, vm0, $0xb8;
	[tilespmem:$0x18080] =	vst v63  }
0x77: {  	s0 =	rddreg [dreg:$0x1a]  }
0x78: {  	[hbm4b:s4+s2] =	stream.indirect_vreg.scatter [tilespmem:s0], [sflag:$0x1], $0x80, v3, vm0, $0xb8;
	[tilespmem:$0x18080] =	vst v63  }
0x79: {  	s9 =	rddreg [dreg:$0x1b]  }
0x7a: {  	[hbm4b:s5+s2] =	stream.indirect_vreg.scatter [tilespmem:s9], [sflag:$0x1], $0x80, v3, vm0, $0xb8;
	[tilespmem:$0x18080] =	vst v63  }
0x7b: {  	v3 =	vld [tilespmem:$0x40];
	_ =	sdelay $0x4  }
0x7c: {  	v60 =	vshrl.u32 v3, $0x3  }
0x7d: {  	v4 =	vmul.u32 $0x30, v60  }
0x7e: {  	v3 =	vand.u32 $0x7, v3  }
0x7f: {  	v3 =	vor.u32 v3, v4  }
0x80: {  	v4 =	vperm.xlane v3, v0;
	_ =	sdelay $0x1  }
0x81: {  	v4 =	vadd.s32 v1, v4;
	_ =	sdelay $0x3  }
0x82: {  	s0 =	rddreg [dreg:$0x1c];
	v3 =	vperm.xlane v3, v2  }
0x83: {  	[hbm4b:s3+s2] =	stream.indirect_vreg.scatter [tilespmem:s0], [sflag:$0x1], $0x80, v4, vm0, $0xb8;
	[tilespmem:$0x18080] =	vst v63  }
0x84: {  	s9 =	rddreg [dreg:$0x1d];
	v3 =	vadd.s32 v1, v3  }
0x85: {  	[hbm4b:s4+s2] =	stream.indirect_vreg.scatter [tilespmem:s9], [sflag:$0x1], $0x80, v4, vm0, $0xb8;
	[tilespmem:$0x18080] =	vst v63  }
0x86: {  	s9 =	simm.s32 $0xD080  }
0x87: {  	[hbm4b:s5+s2] =	stream.indirect_vreg.scatter [tilespmem:s9], [sflag:$0x1], $0x80, v4, vm0, $0xb8;
	[tilespmem:$0x18080] =	vst v63  }
0x88: {  	_ = 	snop  }
0x89: {  	[hbm4b:s3+s2] =	stream.indirect_vreg.scatter [tilespmem:s10], [sflag:$0x1], $0x80, v3, vm0, $0xb8;
	[tilespmem:$0x18080] =	vst v63  }
0x8a: {  	_ = 	snop  }
0x8b: {  	[hbm4b:s4+s2] =	stream.indirect_vreg.scatter [tilespmem:s11], [sflag:$0x1], $0x80, v3, vm0, $0xb8;
	[tilespmem:$0x18080] =	vst v63  }
0x8c: {  	_ = 	snop  }
0x8d: {  	[hbm4b:s5+s2] =	stream.indirect_vreg.scatter [tilespmem:s12], [sflag:$0x1], $0x80, v3, vm0, $0xb8;
	[tilespmem:$0x18080] =	vst v63  }
0x8e: {  	v3 =	vld [tilespmem:$0x50];
	_ =	sdelay $0x4  }
0x8f: {  	v61 =	vshrl.u32 v3, $0x3  }
0x90: {  	v4 =	vmul.u32 $0x30, v61  }
0x91: {  	v3 =	vand.u32 $0x7, v3  }
0x92: {  	v3 =	vor.u32 v3, v4  }
0x93: {  	v4 =	vperm.xlane v3, v0;
	_ =	sdelay $0x1  }
0x94: {  	v4 =	vadd.s32 v1, v4;
	_ =	sdelay $0x3  }
0x95: {  	v3 =	vperm.xlane v3, v2  }
0x96: {  	[hbm4b:s3+s2] =	stream.indirect_vreg.scatter [tilespmem:s13], [sflag:$0x1], $0x80, v4, vm0, $0xb8;
	[tilespmem:$0x18080] =	vst v63  }
0x97: {  	v3 =	vadd.s32 v1, v3  }
0x98: {  	[hbm4b:s4+s2] =	stream.indirect_vreg.scatter [tilespmem:s14], [sflag:$0x1], $0x80, v4, vm0, $0xb8;
	[tilespmem:$0x18080] =	vst v63  }
0x99: {  	_ = 	snop  }
0x9a: {  	[hbm4b:s5+s2] =	stream.indirect_vreg.scatter [tilespmem:s15], [sflag:$0x1], $0x80, v4, vm0, $0xb8;
	[tilespmem:$0x18080] =	vst v63  }
0x9b: {  	_ = 	snop  }
0x9c: {  	[hbm4b:s3+s2] =	stream.indirect_vreg.scatter [tilespmem:s16], [sflag:$0x1], $0x80, v3, vm0, $0xb8;
	[tilespmem:$0x18080] =	vst v63  }
0x9d: {  	_ = 	snop  }
0x9e: {  	[hbm4b:s4+s2] =	stream.indirect_vreg.scatter [tilespmem:s17], [sflag:$0x1], $0x80, v3, vm0, $0xb8;
	[tilespmem:$0x18080] =	vst v63  }
0x9f: {  	_ = 	snop  }
0xa0: {  	[hbm4b:s5+s2] =	stream.indirect_vreg.scatter [tilespmem:s18], [sflag:$0x1], $0x80, v3, vm0, $0xb8;
	[tilespmem:$0x18080] =	vst v63  }
0xa1: {  	v3 =	vld [tilespmem:$0x60];
	_ =	sdelay $0x4  }
0xa2: {  	v62 =	vshrl.u32 v3, $0x3  }
0xa3: {  	v4 =	vmul.u32 $0x30, v62  }
0xa4: {  	v3 =	vand.u32 $0x7, v3  }
0xa5: {  	v3 =	vor.u32 v3, v4  }
0xa6: {  	v4 =	vperm.xlane v3, v0;
	_ =	sdelay $0x1  }
0xa7: {  	v4 =	vadd.s32 v1, v4;
	_ =	sdelay $0x3  }
0xa8: {  	v3 =	vperm.xlane v3, v2  }
0xa9: {  	[hbm4b:s3+s2] =	stream.indirect_vreg.scatter [tilespmem:s19], [sflag:$0x1], $0x80, v4, vm0, $0xb8;
	[tilespmem:$0x18080] =	vst v63  }
0xaa: {  	v3 =	vadd.s32 v1, v3  }
0xab: {  	[hbm4b:s4+s2] =	stream.indirect_vreg.scatter [tilespmem:s20], [sflag:$0x1], $0x80, v4, vm0, $0xb8;
	[tilespmem:$0x18080] =	vst v63  }
0xac: {  	_ = 	snop  }
0xad: {  	[hbm4b:s5+s2] =	stream.indirect_vreg.scatter [tilespmem:s21], [sflag:$0x1], $0x80, v4, vm0, $0xb8;
	[tilespmem:$0x18080] =	vst v63  }
0xae: {  	_ = 	snop  }
0xaf: {  	[hbm4b:s3+s2] =	stream.indirect_vreg.scatter [tilespmem:s22], [sflag:$0x1], $0x80, v3, vm0, $0xb8;
	[tilespmem:$0x18080] =	vst v63  }
0xb0: {  	_ = 	snop  }
0xb1: {  	[hbm4b:s4+s2] =	stream.indirect_vreg.scatter [tilespmem:s23], [sflag:$0x1], $0x80, v3, vm0, $0xb8;
	[tilespmem:$0x18080] =	vst v63  }
0xb2: {  	_ = 	snop  }
0xb3: {  	[hbm4b:s5+s2] =	stream.indirect_vreg.scatter [tilespmem:s24], [sflag:$0x1], $0x80, v3, vm0, $0xb8;
	[tilespmem:$0x18080] =	vst v63  }
0xb4: {  	v3 =	vld [tilespmem:$0x70];
	_ =	sdelay $0x4  }
0xb5: {  	v63 =	vshrl.u32 v3, $0x3  }
0xb6: {  	v4 =	vmul.u32 $0x30, v63  }
0xb7: {  	v3 =	vand.u32 $0x7, v3  }
0xb8: {  	v3 =	vor.u32 v3, v4  }
0xb9: {  	v4 =	vperm.xlane v3, v0;
	_ =	sdelay $0x1  }
0xba: {  	v4 =	vadd.s32 v1, v4;
	_ =	sdelay $0x3  }
0xbb: {  	v3 =	vperm.xlane v3, v2  }
0xbc: {  	[hbm4b:s3+s2] =	stream.indirect_vreg.scatter [tilespmem:s25], [sflag:$0x1], $0x80, v4, vm0, $0xb8;
	[tilespmem:$0x18080] =	vst v63  }
0xbd: {  	v3 =	vadd.s32 v1, v3  }
0xbe: {  	[hbm4b:s4+s2] =	stream.indirect_vreg.scatter [tilespmem:s26], [sflag:$0x1], $0x80, v4, vm0, $0xb8;
	[tilespmem:$0x18080] =	vst v63  }
0xbf: {  	_ = 	snop  }
0xc0: {  	[hbm4b:s5+s2] =	stream.indirect_vreg.scatter [tilespmem:s28], [sflag:$0x1], $0x80, v4, vm0, $0xb8;
	[tilespmem:$0x18080] =	vst v63  }
0xc1: {  	_ = 	snop  }
0xc2: {  	[hbm4b:s3+s2] =	stream.indirect_vreg.scatter [tilespmem:s29], [sflag:$0x1], $0x80, v3, vm0, $0xb8;
	[tilespmem:$0x18080] =	vst v63  }
0xc3: {  	p0 =	sne.s32 s6, $0x1  }
0xc4: {  	[hbm4b:s4+s2] =	stream.indirect_vreg.scatter [tilespmem:s30], [sflag:$0x1], $0x80, v3, vm0, $0xb8;
	[tilespmem:$0x18080] =	vst v63  }
.Ltmp0:
0xc5: {  	_ = 	snop;
	(pc) =	sbr.rel @p0 .LBB2_1-.Ltmp0, $4  }
0xc6: {  	[hbm4b:s5+s2] =	stream.indirect_vreg.scatter [tilespmem:s31], [sflag:$0x1], $0x80, v3, vm0, $0xb8;
	[tilespmem:$0x18080] =	vst v63  }
0xc7: {  	_ =	swait.ge [sflag:s1], $0x18000  }
0xc8: {  	[sflag:s1] =	ssyncset.done $0x0  }
0xc9: {  	s6 =	sadd.s32 $0xFFFFFFFF, s6;
	[sflag:s1] =	ssyncadd.s32 $0xFFFE8000  }
0xca: {  	_ =	sfence.sel $0x180000  }
0xcb: {  	[bflag:$0x0] =	sbarrier.arrive $0xFFFF  }
0xcc: {  	_ =	strace $0x90000047  }
0xcd: {  	s0 =	stileid.u32;
	[bflag:$0x2] =	sbarrier.arrive $0xFFFF  }
0xce: {  	p0 =	sne.s32 s0, $0x0;
	s0 =	rddreg [dreg:$0x2]  }
0xcf: {  	s0 =	sadd.s32 @!p0 $0x100000, s0  }
0xd0: {  	[sflag:s0] =	ssyncadd.tile.s32 @!p0 $0x1;
	_ =	shalt  }
.Lfunc_end2:
_tile_overlayer_lowered:
.L_overlay_start_2:
0xd1: {  	(tag) =	ssettag $0x2  }
0xd2: {  	s0 =	rddreg [dreg:$0x0];
	s2 =	stileid.u32  }
0xd3: {  	s1 =	rddreg [dreg:$0x1];
	p0 =	sne.s32 s2, $0x0  }
0xd4: {  	s3 =	rddreg [dreg:$0x2];
	[bflag:$0x3] =	sbarrier.arrive $0xFFFF;
	s2 =	simm.s32 @!p0 $0x1C02  }
0xd5: {  	[timem:s3], [sflag:s2] =	dma.local @!p0 [hbm:s0], s1  }
0xd6: {  	s0 =	simm.s32 @!p0 $0x2  }
0xd7: {  	_ =	swait.ge @!p0 [sflag:s0], s1  }
0xd8: {  	s1 =	ssub.s32 @!p0 $0x0, s1;
	[sflag:s0] =	ssyncset.done @!p0 $0x0  }
0xd9: {  	[sflag:s0] =	ssyncadd.s32 @!p0 s1  }
0xda: {  	[bflag:$0x3] =	sbarrier.arrive $0xFFFF  }
0xdb: {  	_ =	shalt  }

// kernel: kernel.9.cloned.1.call-start
scs
__scs_entry_jumppad:
0x0: {  	(pc) =	sbr.rel $0x88, $3  }
0x1: {  	(tag) =	ssettag $0x0;
	lr =	simm.s32 $0x1  }
0x2: {  	[smem:$0x3F9B] =	sst lr;
	_ =	strace $0xD0000000  }
0x3: {  	_ = 	snop  }
0x4: {  	_ = 	snop  }
0x5: {  	_ = 	snop  }
0x6: {  	_ = 	snop  }
0x7: {  	_ = 	snop  }
__scs_overlays_trampoline_lowered:
0x8: {  	[smem:$0x3FAA] =	sst s0  }
0x9: {  	[smem:$0x3FAB] =	sst s1  }
0xa: {  	[smem:$0x3FAC] =	sst s2  }
0xb: {  	[smem:$0x3FAD] =	sst s3  }
0xc: {  	[smem:$0x3FAE] =	sst s4  }
0xd: {  	[smem:$0x3FAF] =	sst s5  }
0xe: {  	[smem:$0x3FB0] =	sst s6  }
0xf: {  	[smem:$0x3FB1] =	sst s7  }
0x10: {  	[smem:$0x3FB2] =	sst s8  }
0x11: {  	[smem:$0x3FB3] =	sst s9;
	s0 =	simm.s32 @!p0 $0x0  }
0x12: {  	s1 =	sld [smem:$0x3F99];
	s0 =	simm.s32 @p0 $0x1  }
0x13: {  	[smem:$0x3FB4] =	sst s0;
	s0 =	simm.s32 @!p1 $0x0  }
0x14: {  	s2 =	sld [smem:$0x3F98];
	s0 =	simm.s32 @p1 $0x1  }
0x15: {  	[smem:$0x3FB5] =	sst s0;
	s0 =	simm.s32 @!p2 $0x0  }
0x16: {  	s3 =	sld [smem:$0x3FDB];
	s0 =	simm.s32 @p2 $0x1  }
0x17: {  	s4 =	simm.s32 $0x1BF5;
	[smem:$0x3FB7] =	sst s0  }
0x18: {  	s0 =	sld [smem:$0x3F9A];
	_ =	swait.ge [sflag:s4], $0x0  }
0x19: {  	s7 =	sld [smem:$0x3F9B]  }
0x1a: {  	s8 =	sadd.s32 $0xFFFFE003, lr  }
0x1b: {  	s9 =	sadd.s32 $0xFFFFFEF7, lr;
	s5 =	simm.s32 $0xFFFFFFFF;
	p2 =	slt.u32 s8, $0xFFFFF086  }
0x1c: {  	p1 =	slt.u32 s9, $0xF7A;
	s5 =	simm.s32 @!p2 $0x0  }
0x1d: {  	s5 =	simm.s32 @p1 $0x1;
	p0 =	seq.s32 s7, s2  }
0x1e: {  	s7 =	smul.u32 @!p0 $0xF7A, s2;
	p2 =	seq.s32 @!p0 s5, $0x0  }
0x1f: {  	s9 =	smul.u32 $0xF7A, s1;
	s8 =	simm.s32 @!p0 $0x1BF5;
	p2 =	por !p2, p0  }
0x20: {  	[sflag:s8] =	ssyncset.s32 @!p0 $0xFFFFF086;
	s6 =	sadd.s32 @!p0 s3, s7;
	s7 =	simm.s32 @!p0 $0x108  }
0x21: {  	s3 =	sadd.s32 s3, s9;
	s6 =	sadd.s32 @!p0 $0x88, s6;
	s7 =	simm.s32 @p2 $0x1082  }
0x22: {  	[simem:s7], [sflag:s8] =	dma.local @!p0 [hbm:s6], $0xF7A  }
0x23: {  	s9 =	sor.u32 $0xD0000000, s2;
	s6 =	simm.s32 $0x108;
	_ =	swait.ge @!p0 [sflag:s8], $0x0  }
0x24: {  	s3 =	sadd.s32 $0x88, s3;
	s6 =	simm.s32 @!p1 $0x1082;
	[sflag:s4] =	ssyncset.s32 $0xFFFFF086  }
0x25: {  	[simem:s6], [sflag:s4] =	dma.local [hbm:s3], $0xF7A  }
0x26: {  	[smem:$0x3F9B] =	sst s1;
	(tag) =	ssettag s2;
	_ =	strace s9  }
0x27: {  	s1 =	sld [smem:$0x3FAB]  }
0x28: {  	s2 =	sld [smem:$0x3FAC]  }
0x29: {  	s4 =	sld [smem:$0x3FAE]  }
0x2a: {  	p0 =	seq.s32 s5, $0x0;
	s5 =	sld [smem:$0x3FAF]  }
0x2b: {  	s6 =	sld [smem:$0x3FB0]  }
0x2c: {  	s7 =	sld [smem:$0x3FB1]  }
0x2d: {  	s3 =	simm.s32 $0x108;
	s8 =	sld [smem:$0x3FB2]  }
0x2e: {  	s3 =	simm.s32 @!p0 $0x1082;
	s9 =	sld [smem:$0x3FB3]  }
0x2f: {  	lr =	sadd.s32 s0, s3;
	s0 =	sld [smem:$0x3FAA]  }
0x30: {  	s3 =	sld [smem:$0x3FAD]  }
0x31: {  	[smem:$0x3FB6] =	sst s10  }
0x32: {  	s10 =	sld [smem:$0x3FB4];
	_ =	sdelay $0x3  }
0x33: {  	p0 =	seq.s32 s10, $0x1;
	s10 =	sld [smem:$0x3FB6];
	_ =	sdelay $0x3  }
0x34: {  	[smem:$0x3FB6] =	sst s10  }
0x35: {  	s10 =	sld [smem:$0x3FB5];
	_ =	sdelay $0x3  }
0x36: {  	p1 =	seq.s32 s10, $0x1;
	s10 =	sld [smem:$0x3FB6];
	_ =	sdelay $0x3  }
0x37: {  	[smem:$0x3FB6] =	sst s10  }
0x38: {  	s10 =	sld [smem:$0x3FB7]  }
0x39: {  	_ = 	snop;
	(pc) =	sbr.ind lr, $3  }
0x3a: {  	_ = 	snop  }
0x3b: {  	_ = 	snop  }
0x3c: {  	p2 =	seq.s32 s10, $0x1;
	s10 =	sld [smem:$0x3FB6]  }
0x3d: {  	_ =	shalt  }
0x3e: {  	_ =	shalt  }
0x3f: {  	_ =	shalt  }
0x40: {  	_ =	shalt  }
0x41: {  	_ =	shalt  }
0x42: {  	_ =	shalt  }
0x43: {  	_ =	shalt  }
0x44: {  	_ =	shalt  }
0x45: {  	_ =	shalt  }
0x46: {  	_ =	shalt  }
0x47: {  	_ =	shalt  }
0x48: {  	_ =	shalt  }
0x49: {  	_ =	shalt  }
0x4a: {  	_ =	shalt  }
0x4b: {  	_ =	shalt  }
0x4c: {  	_ =	shalt  }
0x4d: {  	_ =	shalt  }
0x4e: {  	_ =	shalt  }
0x4f: {  	_ =	shalt  }
0x50: {  	_ =	shalt  }
0x51: {  	_ =	shalt  }
0x52: {  	_ =	shalt  }
0x53: {  	_ =	shalt  }
0x54: {  	_ =	shalt  }
0x55: {  	_ =	shalt  }
0x56: {  	_ =	shalt  }
0x57: {  	_ =	shalt  }
0x58: {  	_ =	shalt  }
0x59: {  	_ =	shalt  }
0x5a: {  	_ =	shalt  }
0x5b: {  	_ =	shalt  }
0x5c: {  	_ =	shalt  }
0x5d: {  	_ =	shalt  }
0x5e: {  	_ =	shalt  }
0x5f: {  	_ =	shalt  }
0x60: {  	_ =	shalt  }
0x61: {  	_ =	shalt  }
0x62: {  	_ =	shalt  }
0x63: {  	_ =	shalt  }
0x64: {  	_ =	shalt  }
0x65: {  	_ =	shalt  }
0x66: {  	_ =	shalt  }
0x67: {  	_ =	shalt  }
0x68: {  	_ =	shalt  }
0x69: {  	_ =	shalt  }
0x6a: {  	_ =	shalt  }
0x6b: {  	_ =	shalt  }
0x6c: {  	_ =	shalt  }
0x6d: {  	_ =	shalt  }
0x6e: {  	_ =	shalt  }
0x6f: {  	_ =	shalt  }
0x70: {  	_ =	shalt  }
0x71: {  	_ =	shalt  }
0x72: {  	_ =	shalt  }
0x73: {  	_ =	shalt  }
0x74: {  	_ =	shalt  }
0x75: {  	_ =	shalt  }
0x76: {  	_ =	shalt  }
0x77: {  	_ =	shalt  }
0x78: {  	_ =	shalt  }
0x79: {  	_ =	shalt  }
0x7a: {  	_ =	shalt  }
0x7b: {  	_ =	shalt  }
0x7c: {  	_ =	shalt  }
0x7d: {  	_ =	shalt  }
0x7e: {  	_ =	shalt  }
0x7f: {  	_ =	shalt  }
0x80: {  	_ =	shalt  }
0x81: {  	_ =	shalt  }
0x82: {  	_ =	shalt  }
0x83: {  	_ =	shalt  }
0x84: {  	_ =	shalt  }
0x85: {  	_ =	shalt  }
0x86: {  	_ =	shalt  }
0x87: {  	_ =	shalt  }
.Lfunc_end0:
.L_simem_size_0:
called_computation.1_lowered:
.L_overlay_start_0:
0x88: {  	s2 =	sld [smem:$0x3FD9]  }
0x89: {  	s3 =	sld [smem:$0x3FFE];
	_ =	sdelay $0x1  }
0x8a: {  	s1 =	srdreg.scid  }
0x8b: {  	s0 =	sand.u32 $0x1, s1  }
0x8c: {  	s17 =	sshll.u32 s0, $0xA;
	s2 =	sadd.s32 s3, s2  }
0x8d: {  	s2 =	sadd.s32 s2, s17  }
0x8e: {  	[smem:$0x3FC2] =	sst s2  }
0x8f: {  	_ = 	snop  }
0x90: {  	s2 =	sld [smem:$0x3FD0];
	(tm) =	ssettm $0x1  }
0x91: {  	s18 =	sld [smem:$0x3FFB];
	_ =	sdelay $0x3  }
0x92: {  	_ =	strace s18  }
0x93: {  	s3 =	sld [smem:$0x3FFC];
	_ =	sdelay $0x3  }
0x94: {  	_ =	strace s3  }
0x95: {  	s3 =	sld [smem:$0x3FFD];
	_ =	sdelay $0x3  }
0x96: {  	_ =	strace s3  }
0x97: {  	_ =	strace $0x8FFFFFFF  }
0x98: {  	s19 =	sld [smem:$0x3FDB];
	_ =	sdelay $0x1  }
0x99: {  	s4 =	simm.s32 $_scs_section_size  }
0x9a: {  	s5 =	simm.s32 $_size__tile_overlayer_lowered;
	s6 =	simm.s32 $_tile_overlayer_lowered  }
0x9b: {  	s22 =	simm.s32 $0x1BFF;
	s21 =	sshll.u32 s6, $0x1;
	s3 =	sadd.s32 s4, s19  }
0x9c: {  	s7 =	simm.s32 $0x0;
	s20 =	sshll.u32 s5, $0x1;
	s5 =	sadd.s32 s21, s3  }
0x9d: {  	[timem:s7], [sflag:s22] =	dma.local [hbm:s5], s20  }
0x9e: {  	_ =	swait.ge [sflag:s22], s20  }
0x9f: {  	s4 =	ssub.s32 $0x0, s20;
	[sflag:s22] =	ssyncset.done $0x0  }
0xa0: {  	[sflag:s22] =	ssyncadd.s32 s4;
	_ =	sdelay $0x1  }
0xa1: {  	s23 =	simm.s32 $0x1B8B  }
0xa2: {  	_ =	swait.ge [sflag:s23], $0x1  }
0xa3: {  	[sflag:s23] =	ssyncset.done $0x0  }
0xa4: {  	s25 =	simm.s32 $0x1B8E;
	s24 =	sld [smem:$0x3FFE];
	[sflag:s23] =	ssyncadd.s32 $0xFFFFFFFF  }
0xa5: {  	s26 =	simm.s32 $execute0_lowered;
	[smem:$0x3FD2] =	sst s25  }
0xa6: {  	s5 =	sshll.u32 s26, $0x1;
	_ =	strace $0x80000049;
	[dreg:$0x1] =	wrdreg $0xFFFFFFFF  }
0xa7: {  	s28 =	simm.s32 $_size_execute0_lowered;
	s3 =	sadd.s32 s3, s5;
	[dreg:$0x0] =	wrdreg $0x0  }
0xa8: {  	s5 =	sshll.u32 s28, $0x1;
	[dreg:$0x2] =	wrdreg s3  }
0xa9: {  	[dreg:$0x3] =	wrdreg s5  }
0xaa: {  	[dreg:$0x4] =	wrdreg $0xC0  }
0xab: {  	_ =	task [dreg:s7], $0x5FFFF  }
0xac: {  	[dreg:$0x1] =	wrdreg $0xFFFFFFFF  }
0xad: {  	[dreg:$0x0] =	wrdreg $0x60  }
0xae: {  	[dreg:$0x2] =	wrdreg s24  }
0xaf: {  	[dreg:$0x3] =	wrdreg s2  }
0xb0: {  	[dreg:$0x4] =	wrdreg $0x9  }
0xb1: {  	_ =	task.clear_ibuf [dreg:s7], $0x5FFFF;
	_ =	strace $0x90000049  }
0xb2: {  	s29 =	simm.s32 $0x9;
	_ =	strace $0x8000004B  }
0xb3: {  	_ =	swait.ge [sflag:s29], $0x1  }
0xb4: {  	[sflag:s29] =	ssyncadd.s32 $0xFFFFFFFF  }
0xb5: {  	_ =	strace $0x9000004B  }
0xb6: {  	_ =	sfence  }
0xb7: {  	s30 =	sld [smem:$0x0];
	_ =	sdelay $0x2  }
0xb8: {  	s31 =	sshll.u32 s1, $0xD;
	s1 =	sshrl.u32 s1, $0x2  }
0xb9: {  	s3 =	sand.u32 $0x4000, s31;
	s1 =	sadd.s32 s1, s30  }
0xba: {  	s0 =	sor.u32 s3, s0;
	s1 =	sshll.u32 s1, $0x11  }
0xbb: {  	s0 =	sor.u32 s1, s0  }
0xbc: {  	s0 =	sadd.s32 $0x8F2B, s0  }
0xbd: {  	[sflag:s0] =	ssyncadd.remote.s32 $0x1  }
0xbe: {  	_ =	sfence.sel $0xFFFF  }
0xbf: {  	[dreg:$0x0] =	wrdreg $0xFFFFFFFF;
	(pc) =	sbr.abs _section_cstart, $3  }
0xc0: {  	[dreg:$0x1] =	wrdreg $0xFFFFFFFF  }
0xc1: {  	_ =	task.clear_ibuf [dreg:s7], $0x2FFFF;
	_ =	strace $0x9FFFFFFF  }
0xc2: {  	(tm) =	ssettm $0x7FFFFFFF  }
0xc3: {  	_ =	shalt  }
tec
execute0_lowered:
.L_overlay_start_1:
0x0: {  	(tag) =	ssettag $0x1  }
0x1: {  	s2 =	srdreg.scid;
	s1 =	rddreg [dreg:$0x0]  }
0x2: {  	s3 =	rddreg [dreg:$0x1];
	s4 =	sand.u32 $0x1, s2;
	s2 =	simm.s32 $0x0  }
0x3: {  	s0 =	stileid.u32;
	s25 =	simm.s32 $0x880;
	[smem:$0x7FF] =	sst s2  }
0x4: {  	s26 =	simm.s32 $0x1080;
	_ =	strace $0x8000004A;
	[dreg:$0x5] =	wrdreg s25  }
0x5: {  	s5 =	sshll.u32 s0, $0x5;
	s0 =	simm.s32 $0x1880;
	[dreg:$0x6] =	wrdreg s26  }
0x6: {  	s7 =	simm.s32 $0x3080;
	[dreg:$0x7] =	wrdreg s0  }
0x7: {  	s8 =	simm.s32 $0x3880;
	[dreg:$0xa] =	wrdreg s7  }
0x8: {  	s9 =	simm.s32 $0x4080;
	[dreg:$0xb] =	wrdreg s8  }
0x9: {  	s10 =	simm.s32 $0x4880;
	[dreg:$0xc] =	wrdreg s9  }
0xa: {  	s11 =	simm.s32 $0x5080;
	[dreg:$0xd] =	wrdreg s10  }
0xb: {  	s12 =	simm.s32 $0x5880;
	[dreg:$0xe] =	wrdreg s11  }
0xc: {  	s13 =	simm.s32 $0x6080;
	[dreg:$0xf] =	wrdreg s12  }
0xd: {  	s14 =	simm.s32 $0x6880;
	[dreg:$0x10] =	wrdreg s13  }
0xe: {  	s15 =	simm.s32 $0x7080;
	[dreg:$0x11] =	wrdreg s14  }
0xf: {  	s16 =	simm.s32 $0x7880;
	s17 =	simm.s32 $0x8080;
	[dreg:$0x12] =	wrdreg s15  }
0x10: {  	s18 =	simm.s32 $0x8880;
	s19 =	simm.s32 $0x9080;
	[dreg:$0x13] =	wrdreg s16  }
0x11: {  	s21 =	simm.s32 $0x9880;
	s22 =	simm.s32 $0xA080;
	[dreg:$0x14] =	wrdreg s17  }
0x12: {  	s23 =	simm.s32 $0xB080;
	s24 =	simm.s32 $0xB880;
	[dreg:$0x15] =	wrdreg s18  }
0x13: {  	s28 =	simm.s32 $0x16080;
	s29 =	simm.s32 $0x16880;
	[dreg:$0x16] =	wrdreg s19  }
0x14: {  	s30 =	simm.s32 $0x17080;
	s31 =	simm.s32 $0x17880;
	[dreg:$0x17] =	wrdreg s21  }
0x15: {  	s6 =	sshll.u32 s4, $0x4;
	s4 =	ssub.s32 $0x2, s4;
	[dreg:$0x18] =	wrdreg s22  }
0x16: {  	s5 =	sor.u32 s6, s5;
	s20 =	sshrl.u32 s4, $0x1;
	[dreg:$0x1a] =	wrdreg s23  }
0x17: {  	s7 =	simm.s32 $0xA880;
	[dreg:$0x1b] =	wrdreg s24;
	s25 =	simm.s32 $0xC080  }
0x18: {  	s8 =	simm.s32 $0x80;
	s26 =	simm.s32 $0xC880;
	s10 =	simm.s32 $0xD880  }
0x19: {  	s11 =	simm.s32 $0xE080;
	s12 =	simm.s32 $0xE880;
	s13 =	simm.s32 $0xF080  }
0x1a: {  	s14 =	simm.s32 $0xF880;
	s15 =	simm.s32 $0x10080;
	s16 =	simm.s32 $0x10880  }
0x1b: {  	s17 =	simm.s32 $0x11080;
	s18 =	simm.s32 $0x11880;
	s19 =	simm.s32 $0x12080  }
0x1c: {  	s21 =	simm.s32 $0x13080;
	s22 =	simm.s32 $0x13880;
	[dreg:$0x19] =	wrdreg s7  }
0x1d: {  	s6 =	sadd.s32 s5, s1;
	s5 =	smul.u32 $0x300, s5;
	[dreg:$0x1c] =	wrdreg s25  }
0x1e: {  	s23 =	simm.s32 $0x14080;
	[dreg:$0x1d] =	wrdreg s26;
	s6 =	sadd.s32 $0x1200, s6  }
0x1f: {  	s24 =	simm.s32 $0x14880;
	[dreg:$0x3] =	wrdreg s6;
	s3 =	sadd.s32 s3, s5  }
0x20: {  	s7 =	simm.s32 $0x2;
	s5 =	simm.s32 $0x2080;
	[dreg:$0x4] =	wrdreg s3  }
0x21: {  	s25 =	simm.s32 $0x15080;
	s6 =	simm.s32 $0x2880;
	[dreg:$0x8] =	wrdreg s5  }
0x22: {  	v2 =	vlaneseq.u32;
	s26 =	simm.s32 $0x15880;
	[dreg:$0x9] =	wrdreg s6;
	s3 =	sadd.s32 $0x122C00, s1  }
0x23: {  	vm0 =	vmmov $0xffff;
	v1 =	vshrl.u32 v2, $0x3;
	s6 =	ssub.s32 s4, s20;
	s4 =	sadd.s32 $0x122D00, s1;
	s5 =	sadd.s32 $0x122E00, s1  }
0x24: {  	v0 =	vand.u32 $0x7, v2;
	v2 =	vor.u32 $0x8, v2;
	v1 =	vmul.u32 $0x8, v1;
	s20 =	simm.s32 $0x12880;
	s1 =	simm.s32 $0x1;
	s6 =	smax.u32 s6, $0x1  }
.LBB2_1:
0x25: {  	s0 =	rddreg [dreg:$0x3]  }
0x26: {  	[tilespmem:s2], [sflag:$0x2] =	stream.linear.gather [hbm4b:s0+s2], $0x80, $0x38;
	[tilespmem:$0x18080] =	vst v63  }
0x27: {  	_ =	swait.ge [sflag:s7], $0x80  }
0x28: {  	[sflag:s7] =	ssyncset.done $0x0  }
0x29: {  	[sflag:s7] =	ssyncadd.s32 $0xFFFFFF80  }
0x2a: {  	v3 =	vld [tilespmem:$0x0];
	_ =	sdelay $0x4  }
0x2b: {  	v4 =	vshrl.u32 v3, $0x3  }
0x2c: {  	v4 =	vmul.u32 $0x30, v4  }
0x2d: {  	v3 =	vand.u32 $0x7, v3  }
0x2e: {  	v3 =	vor.u32 v3, v4  }
0x2f: {  	v4 =	vperm.xlane v3, v0;
	_ =	sdelay $0x1  }
0x30: {  	v4 =	vadd.s32 v1, v4;
	_ =	sdelay $0x3  }
0x31: {  	v3 =	vperm.xlane v3, v2  }
0x32: {  	[tilespmem:s8], [sflag:$0x1] =	stream.indirect_vreg.gather [hbm4b:s3+s2], $0x80, v4, vm0, $0xb8;
	[tilespmem:$0x18080] =	vst v63  }
0x33: {  	s0 =	rddreg [dreg:$0x5];
	v3 =	vadd.s32 v1, v3  }
0x34: {  	[tilespmem:s0], [sflag:$0x1] =	stream.indirect_vreg.gather [hbm4b:s4+s2], $0x80, v4, vm0, $0xb8;
	[tilespmem:$0x18080] =	vst v63  }
0x35: {  	s9 =	rddreg [dreg:$0x6]  }
0x36: {  	[tilespmem:s9], [sflag:$0x1] =	stream.indirect_vreg.gather [hbm4b:s5+s2], $0x80, v4, vm0, $0xb8;
	[tilespmem:$0x18080] =	vst v63  }
0x37: {  	s0 =	rddreg [dreg:$0x7]  }
0x38: {  	[tilespmem:s0], [sflag:$0x1] =	stream.indirect_vreg.gather [hbm4b:s3+s2], $0x80, v3, vm0, $0xb8;
	[tilespmem:$0x18080] =	vst v63  }
0x39: {  	s9 =	rddreg [dreg:$0x8]  }
0x3a: {  	[tilespmem:s9], [sflag:$0x1] =	stream.indirect_vreg.gather [hbm4b:s4+s2], $0x80, v3, vm0, $0xb8;
	[tilespmem:$0x18080] =	vst v63  }
0x3b: {  	s0 =	rddreg [dreg:$0x9]  }
0x3c: {  	[tilespmem:s0], [sflag:$0x1] =	stream.indirect_vreg.gather [hbm4b:s5+s2], $0x80, v3, vm0, $0xb8;
	[tilespmem:$0x18080] =	vst v63  }
0x3d: {  	v3 =	vld [tilespmem:$0x10];
	_ =	sdelay $0x4  }
0x3e: {  	v57 =	vshrl.u32 v3, $0x3  }
0x3f: {  	v4 =	vmul.u32 $0x30, v57  }
0x40: {  	v3 =	vand.u32 $0x7, v3  }
0x41: {  	v3 =	vor.u32 v3, v4  }
0x42: {  	v4 =	vperm.xlane v3, v0;
	_ =	sdelay $0x1  }
0x43: {  	v4 =	vadd.s32 v1, v4;
	_ =	sdelay $0x3  }
0x44: {  	s0 =	rddreg [dreg:$0xa];
	v3 =	vperm.xlane v3, v2  }
0x45: {  	[tilespmem:s0], [sflag:$0x1] =	stream.indirect_vreg.gather [hbm4b:s3+s2], $0x80, v4, vm0, $0xb8;
	[tilespmem:$0x18080] =	vst v63  }
0x46: {  	s9 =	rddreg [dreg:$0xb];
	v3 =	vadd.s32 v1, v3  }
0x47: {  	[tilespmem:s9], [sflag:$0x1] =	stream.indirect_vreg.gather [hbm4b:s4+s2], $0x80, v4, vm0, $0xb8;
	[tilespmem:$0x18080] =	vst v63  }
0x48: {  	s0 =	rddreg [dreg:$0xc]  }
0x49: {  	[tilespmem:s0], [sflag:$0x1] =	stream.indirect_vreg.gather [hbm4b:s5+s2], $0x80, v4, vm0, $0xb8;
	[tilespmem:$0x18080] =	vst v63  }
0x4a: {  	s9 =	rddreg [dreg:$0xd]  }
0x4b: {  	[tilespmem:s9], [sflag:$0x1] =	stream.indirect_vreg.gather [hbm4b:s3+s2], $0x80, v3, vm0, $0xb8;
	[tilespmem:$0x18080] =	vst v63  }
0x4c: {  	s0 =	rddreg [dreg:$0xe]  }
0x4d: {  	[tilespmem:s0], [sflag:$0x1] =	stream.indirect_vreg.gather [hbm4b:s4+s2], $0x80, v3, vm0, $0xb8;
	[tilespmem:$0x18080] =	vst v63  }
0x4e: {  	s9 =	rddreg [dreg:$0xf]  }
0x4f: {  	[tilespmem:s9], [sflag:$0x1] =	stream.indirect_vreg.gather [hbm4b:s5+s2], $0x80, v3, vm0, $0xb8;
	[tilespmem:$0x18080] =	vst v63  }
0x50: {  	v3 =	vld [tilespmem:$0x20];
	_ =	sdelay $0x4  }
0x51: {  	v58 =	vshrl.u32 v3, $0x3  }
0x52: {  	v4 =	vmul.u32 $0x30, v58  }
0x53: {  	v3 =	vand.u32 $0x7, v3  }
0x54: {  	v3 =	vor.u32 v3, v4  }
0x55: {  	v4 =	vperm.xlane v3, v0;
	_ =	sdelay $0x1  }
0x56: {  	v4 =	vadd.s32 v1, v4;
	_ =	sdelay $0x3  }
0x57: {  	s0 =	rddreg [dreg:$0x10];
	v3 =	vperm.xlane v3, v2  }
0x58: {  	[tilespmem:s0], [sflag:$0x1] =	stream.indirect_vreg.gather [hbm4b:s3+s2], $0x80, v4, vm0, $0xb8;
	[tilespmem:$0x18080] =	vst v63  }
0x59: {  	s9 =	rddreg [dreg:$0x11];
	v3 =	vadd.s32 v1, v3  }
0x5a: {  	[tilespmem:s9], [sflag:$0x1] =	stream.indirect_vreg.gather [hbm4b:s4+s2], $0x80, v4, vm0, $0xb8;
	[tilespmem:$0x18080] =	vst v63  }
0x5b: {  	s0 =	rddreg [dreg:$0x12]  }
0x5c: {  	[tilespmem:s0], [sflag:$0x1] =	stream.indirect_vreg.gather [hbm4b:s5+s2], $0x80, v4, vm0, $0xb8;
	[tilespmem:$0x18080] =	vst v63  }
0x5d: {  	s9 =	rddreg [dreg:$0x13]  }
0x5e: {  	[tilespmem:s9], [sflag:$0x1] =	stream.indirect_vreg.gather [hbm4b:s3+s2], $0x80, v3, vm0, $0xb8;
	[tilespmem:$0x18080] =	vst v63  }
0x5f: {  	s0 =	rddreg [dreg:$0x14]  }
0x60: {  	[tilespmem:s0], [sflag:$0x1] =	stream.indirect_vreg.gather [hbm4b:s4+s2], $0x80, v3, vm0, $0xb8;
	[tilespmem:$0x18080] =	vst v63  }
0x61: {  	s9 =	rddreg [dreg:$0x15]  }
0x62: {  	[tilespmem:s9], [sflag:$0x1] =	stream.indirect_vreg.gather [hbm4b:s5+s2], $0x80, v3, vm0, $0xb8;
	[tilespmem:$0x18080] =	vst v63  }
0x63: {  	v3 =	vld [tilespmem:$0x30];
	_ =	sdelay $0x4  }
0x64: {  	v59 =	vshrl.u32 v3, $0x3  }
0x65: {  	v4 =	vmul.u32 $0x30, v59  }
0x66: {  	v3 =	vand.u32 $0x7, v3  }
0x67: {  	v3 =	vor.u32 v3, v4  }
0x68: {  	v4 =	vperm.xlane v3, v0;
	_ =	sdelay $0x1  }
0x69: {  	v4 =	vadd.s32 v1, v4;
	_ =	sdelay $0x3  }
0x6a: {  	s0 =	rddreg [dreg:$0x16];
	v3 =	vperm.xlane v3, v2  }
0x6b: {  	[tilespmem:s0], [sflag:$0x1] =	stream.indirect_vreg.gather [hbm4b:s3+s2], $0x80, v4, vm0, $0xb8;
	[tilespmem:$0x18080] =	vst v63  }
0x6c: {  	s9 =	rddreg [dreg:$0x17];
	v3 =	vadd.s32 v1, v3  }
0x6d: {  	[tilespmem:s9], [sflag:$0x1] =	stream.indirect_vreg.gather [hbm4b:s4+s2], $0x80, v4, vm0, $0xb8;
	[tilespmem:$0x18080] =	vst v63  }
0x6e: {  	s0 =	rddreg [dreg:$0x18]  }
0x6f: {  	[tilespmem:s0], [sflag:$0x1] =	stream.indirect_vreg.gather [hbm4b:s5+s2], $0x80, v4, vm0, $0xb8;
	[tilespmem:$0x18080] =	vst v63  }
0x70: {  	s9 =	rddreg [dreg:$0x19]  }
0x71: {  	[tilespmem:s9], [sflag:$0x1] =	stream.indirect_vreg.gather [hbm4b:s3+s2], $0x80, v3, vm0, $0xb8;
	[tilespmem:$0x18080] =	vst v63  }
0x72: {  	s0 =	rddreg [dreg:$0x1a]  }
0x73: {  	[tilespmem:s0], [sflag:$0x1] =	stream.indirect_vreg.gather [hbm4b:s4+s2], $0x80, v3, vm0, $0xb8;
	[tilespmem:$0x18080] =	vst v63  }
0x74: {  	s9 =	rddreg [dreg:$0x1b]  }
0x75: {  	[tilespmem:s9], [sflag:$0x1] =	stream.indirect_vreg.gather [hbm4b:s5+s2], $0x80, v3, vm0, $0xb8;
	[tilespmem:$0x18080] =	vst v63  }
0x76: {  	v3 =	vld [tilespmem:$0x40];
	_ =	sdelay $0x4  }
0x77: {  	v60 =	vshrl.u32 v3, $0x3  }
0x78: {  	v4 =	vmul.u32 $0x30, v60  }
0x79: {  	v3 =	vand.u32 $0x7, v3  }
0x7a: {  	v3 =	vor.u32 v3, v4  }
0x7b: {  	v4 =	vperm.xlane v3, v0;
	_ =	sdelay $0x1  }
0x7c: {  	v4 =	vadd.s32 v1, v4;
	_ =	sdelay $0x3  }
0x7d: {  	s0 =	rddreg [dreg:$0x1c];
	v3 =	vperm.xlane v3, v2  }
0x7e: {  	[tilespmem:s0], [sflag:$0x1] =	stream.indirect_vreg.gather [hbm4b:s3+s2], $0x80, v4, vm0, $0xb8;
	[tilespmem:$0x18080] =	vst v63  }
0x7f: {  	s9 =	rddreg [dreg:$0x1d];
	v3 =	vadd.s32 v1, v3  }
0x80: {  	[tilespmem:s9], [sflag:$0x1] =	stream.indirect_vreg.gather [hbm4b:s4+s2], $0x80, v4, vm0, $0xb8;
	[tilespmem:$0x18080] =	vst v63  }
0x81: {  	s9 =	simm.s32 $0xD080  }
0x82: {  	[tilespmem:s9], [sflag:$0x1] =	stream.indirect_vreg.gather [hbm4b:s5+s2], $0x80, v4, vm0, $0xb8;
	[tilespmem:$0x18080] =	vst v63  }
0x83: {  	_ = 	snop  }
0x84: {  	[tilespmem:s10], [sflag:$0x1] =	stream.indirect_vreg.gather [hbm4b:s3+s2], $0x80, v3, vm0, $0xb8;
	[tilespmem:$0x18080] =	vst v63  }
0x85: {  	_ = 	snop  }
0x86: {  	[tilespmem:s11], [sflag:$0x1] =	stream.indirect_vreg.gather [hbm4b:s4+s2], $0x80, v3, vm0, $0xb8;
	[tilespmem:$0x18080] =	vst v63  }
0x87: {  	_ = 	snop  }
0x88: {  	[tilespmem:s12], [sflag:$0x1] =	stream.indirect_vreg.gather [hbm4b:s5+s2], $0x80, v3, vm0, $0xb8;
	[tilespmem:$0x18080] =	vst v63  }
0x89: {  	v3 =	vld [tilespmem:$0x50];
	_ =	sdelay $0x4  }
0x8a: {  	v61 =	vshrl.u32 v3, $0x3  }
0x8b: {  	v4 =	vmul.u32 $0x30, v61  }
0x8c: {  	v3 =	vand.u32 $0x7, v3  }
0x8d: {  	v3 =	vor.u32 v3, v4  }
0x8e: {  	v4 =	vperm.xlane v3, v0;
	_ =	sdelay $0x1  }
0x8f: {  	v4 =	vadd.s32 v1, v4;
	_ =	sdelay $0x3  }
0x90: {  	v3 =	vperm.xlane v3, v2  }
0x91: {  	[tilespmem:s13], [sflag:$0x1] =	stream.indirect_vreg.gather [hbm4b:s3+s2], $0x80, v4, vm0, $0xb8;
	[tilespmem:$0x18080] =	vst v63  }
0x92: {  	v3 =	vadd.s32 v1, v3  }
0x93: {  	[tilespmem:s14], [sflag:$0x1] =	stream.indirect_vreg.gather [hbm4b:s4+s2], $0x80, v4, vm0, $0xb8;
	[tilespmem:$0x18080] =	vst v63  }
0x94: {  	_ = 	snop  }
0x95: {  	[tilespmem:s15], [sflag:$0x1] =	stream.indirect_vreg.gather [hbm4b:s5+s2], $0x80, v4, vm0, $0xb8;
	[tilespmem:$0x18080] =	vst v63  }
0x96: {  	_ = 	snop  }
0x97: {  	[tilespmem:s16], [sflag:$0x1] =	stream.indirect_vreg.gather [hbm4b:s3+s2], $0x80, v3, vm0, $0xb8;
	[tilespmem:$0x18080] =	vst v63  }
0x98: {  	_ = 	snop  }
0x99: {  	[tilespmem:s17], [sflag:$0x1] =	stream.indirect_vreg.gather [hbm4b:s4+s2], $0x80, v3, vm0, $0xb8;
	[tilespmem:$0x18080] =	vst v63  }
0x9a: {  	_ = 	snop  }
0x9b: {  	[tilespmem:s18], [sflag:$0x1] =	stream.indirect_vreg.gather [hbm4b:s5+s2], $0x80, v3, vm0, $0xb8;
	[tilespmem:$0x18080] =	vst v63  }
0x9c: {  	v3 =	vld [tilespmem:$0x60];
	_ =	sdelay $0x4  }
0x9d: {  	v62 =	vshrl.u32 v3, $0x3  }
0x9e: {  	v4 =	vmul.u32 $0x30, v62  }
0x9f: {  	v3 =	vand.u32 $0x7, v3  }
0xa0: {  	v3 =	vor.u32 v3, v4  }
0xa1: {  	v4 =	vperm.xlane v3, v0;
	_ =	sdelay $0x1  }
0xa2: {  	v4 =	vadd.s32 v1, v4;
	_ =	sdelay $0x3  }
0xa3: {  	v3 =	vperm.xlane v3, v2  }
0xa4: {  	[tilespmem:s19], [sflag:$0x1] =	stream.indirect_vreg.gather [hbm4b:s3+s2], $0x80, v4, vm0, $0xb8;
	[tilespmem:$0x18080] =	vst v63  }
0xa5: {  	v3 =	vadd.s32 v1, v3  }
0xa6: {  	[tilespmem:s20], [sflag:$0x1] =	stream.indirect_vreg.gather [hbm4b:s4+s2], $0x80, v4, vm0, $0xb8;
	[tilespmem:$0x18080] =	vst v63  }
0xa7: {  	_ = 	snop  }
0xa8: {  	[tilespmem:s21], [sflag:$0x1] =	stream.indirect_vreg.gather [hbm4b:s5+s2], $0x80, v4, vm0, $0xb8;
	[tilespmem:$0x18080] =	vst v63  }
0xa9: {  	_ = 	snop  }
0xaa: {  	[tilespmem:s22], [sflag:$0x1] =	stream.indirect_vreg.gather [hbm4b:s3+s2], $0x80, v3, vm0, $0xb8;
	[tilespmem:$0x18080] =	vst v63  }
0xab: {  	_ = 	snop  }
0xac: {  	[tilespmem:s23], [sflag:$0x1] =	stream.indirect_vreg.gather [hbm4b:s4+s2], $0x80, v3, vm0, $0xb8;
	[tilespmem:$0x18080] =	vst v63  }
0xad: {  	_ = 	snop  }
0xae: {  	[tilespmem:s24], [sflag:$0x1] =	stream.indirect_vreg.gather [hbm4b:s5+s2], $0x80, v3, vm0, $0xb8;
	[tilespmem:$0x18080] =	vst v63  }
0xaf: {  	v3 =	vld [tilespmem:$0x70];
	_ =	sdelay $0x4  }
0xb0: {  	v63 =	vshrl.u32 v3, $0x3  }
0xb1: {  	v4 =	vmul.u32 $0x30, v63  }
0xb2: {  	v3 =	vand.u32 $0x7, v3  }
0xb3: {  	v3 =	vor.u32 v3, v4  }
0xb4: {  	v4 =	vperm.xlane v3, v0;
	_ =	sdelay $0x1  }
0xb5: {  	v4 =	vadd.s32 v1, v4;
	_ =	sdelay $0x3  }
0xb6: {  	v3 =	vperm.xlane v3, v2  }
0xb7: {  	[tilespmem:s25], [sflag:$0x1] =	stream.indirect_vreg.gather [hbm4b:s3+s2], $0x80, v4, vm0, $0xb8;
	[tilespmem:$0x18080] =	vst v63  }
0xb8: {  	v3 =	vadd.s32 v1, v3  }
0xb9: {  	[tilespmem:s26], [sflag:$0x1] =	stream.indirect_vreg.gather [hbm4b:s4+s2], $0x80, v4, vm0, $0xb8;
	[tilespmem:$0x18080] =	vst v63  }
0xba: {  	_ = 	snop  }
0xbb: {  	[tilespmem:s28], [sflag:$0x1] =	stream.indirect_vreg.gather [hbm4b:s5+s2], $0x80, v4, vm0, $0xb8;
	[tilespmem:$0x18080] =	vst v63  }
0xbc: {  	_ = 	snop  }
0xbd: {  	[tilespmem:s29], [sflag:$0x1] =	stream.indirect_vreg.gather [hbm4b:s3+s2], $0x80, v3, vm0, $0xb8;
	[tilespmem:$0x18080] =	vst v63  }
0xbe: {  	_ = 	snop  }
0xbf: {  	[tilespmem:s30], [sflag:$0x1] =	stream.indirect_vreg.gather [hbm4b:s4+s2], $0x80, v3, vm0, $0xb8;
	[tilespmem:$0x18080] =	vst v63  }
0xc0: {  	_ = 	snop  }
0xc1: {  	[tilespmem:s31], [sflag:$0x1] =	stream.indirect_vreg.gather [hbm4b:s5+s2], $0x80, v3, vm0, $0xb8;
	[tilespmem:$0x18080] =	vst v63  }
0xc2: {  	_ =	swait.ge [sflag:s1], $0x18000  }
0xc3: {  	p0 =	sne.s32 s6, $0x1;
	[sflag:s1] =	ssyncset.done $0x0  }
.Ltmp0:
0xc4: {  	s9 =	rddreg [dreg:$0x4];
	[sflag:s1] =	ssyncadd.s32 $0xFFFE8000;
	(pc) =	sbr.rel @p0 .LBB2_1-.Ltmp0, $4  }
0xc5: {  	[hbm4b:s9+s2] =	stream.linear.scatter [tilespmem:s8], [sflag:$0x2], $0x18000, $0x38;
	[tilespmem:$0x18080] =	vst v63  }
0xc6: {  	_ =	swait.ge [sflag:s7], $0x18000  }
0xc7: {  	[sflag:s7] =	ssyncset.done $0x0  }
0xc8: {  	s6 =	sadd.s32 $0xFFFFFFFF, s6;
	[sflag:s7] =	ssyncadd.s32 $0xFFFE8000  }
0xc9: {  	_ =	sfence.sel $0x180000  }
0xca: {  	[bflag:$0x0] =	sbarrier.arrive $0xFFFF  }
0xcb: {  	_ =	strace $0x9000004A  }
0xcc: {  	s0 =	stileid.u32;
	[bflag:$0x2] =	sbarrier.arrive $0xFFFF  }
0xcd: {  	p0 =	sne.s32 s0, $0x0;
	s0 =	rddreg [dreg:$0x2]  }
0xce: {  	s0 =	sadd.s32 @!p0 $0x100000, s0  }
0xcf: {  	[sflag:s0] =	ssyncadd.tile.s32 @!p0 $0x1;
	_ =	shalt  }
.Lfunc_end2:
_tile_overlayer_lowered:
.L_overlay_start_2:
0xd0: {  	(tag) =	ssettag $0x2  }
0xd1: {  	s0 =	rddreg [dreg:$0x0];
	s2 =	stileid.u32  }
0xd2: {  	s1 =	rddreg [dreg:$0x1];
	p0 =	sne.s32 s2, $0x0  }
0xd3: {  	s3 =	rddreg [dreg:$0x2];
	[bflag:$0x3] =	sbarrier.arrive $0xFFFF;
	s2 =	simm.s32 @!p0 $0x1C02  }
0xd4: {  	[timem:s3], [sflag:s2] =	dma.local @!p0 [hbm:s0], s1  }
0xd5: {  	s0 =	simm.s32 @!p0 $0x2  }
0xd6: {  	_ =	swait.ge @!p0 [sflag:s0], s1  }
0xd7: {  	s1 =	ssub.s32 @!p0 $0x0, s1;
	[sflag:s0] =	ssyncset.done @!p0 $0x0  }
0xd8: {  	[sflag:s0] =	ssyncadd.s32 @!p0 s1  }
0xd9: {  	[bflag:$0x3] =	sbarrier.arrive $0xFFFF  }
0xda: {  	_ =	shalt  }

</sc_bundles>
